<compile_context>
chip_gen: v7x
topology: tpu7x:2x2x1
jax: 0.10.2.dev20260603
libtpu: 0.0.44.dev20260713+nightly
codegen_flags: <defaults>
</compile_context>

<pallas_src>
import jax
import jax.numpy as jnp
from jax import lax
from jax.experimental import pallas as pl
from jax.experimental.pallas import tpu as pltpu
from jax.experimental.pallas import tpu_sc as plsc

_B, _E, _S, _D = 16, 20, 2048, 32
_ES = _E * _S
_CHUNKS2 = _E * (_S // 2) // 32
_BPC = _B // 2
_BSTRIDE = _E * _D * _S
_NIDX = 16 * _S


def _body(h_hbm, pos_hbm, out_hbm, pos_v, table_v, lo_v, hi_v,
          validf_v, idx_v, vals_v, shared_t, sem):
    c = lax.axis_index("c")
    s = lax.axis_index("s")
    b = c * _BPC + s // 2
    half = s % 2
    iot = lax.iota(jnp.int32, 16)

    cp = pltpu.async_copy(
        pos_hbm.at[:, b, pl.ds(half * (_S // 2), _S // 2)], pos_v, sem)

    neg1 = jnp.full((16,), -1, jnp.int32)
    for k in range(_S // 16):
        table_v[pl.ds(k * 16, 16)] = neg1
    cp.wait()

    i0 = half * (_S // 2)

    def chunk_body(j, carry):
        for u in range(4):
            jj = j * 4 + u
            idx = pos_v[jj >> 6, pl.ds((jj & 63) * 16, 16)]
            ival = jj * 16 + (jj >> 6) * 1024 + i0 + iot
            plsc.store_scatter(table_v, [idx], ival)
        return carry

    lax.fori_loop(0, _CHUNKS2 // 2, chunk_body, jnp.int32(0))

    pltpu.sync_copy(table_v, shared_t.at[s])
    plsc.subcore_barrier()
    pltpu.sync_copy(shared_t.at[(s // 2) * 2], lo_v)
    pltpu.sync_copy(shared_t.at[(s // 2) * 2 + 1], hi_v)

    bbase = b * _BSTRIDE

    def merge_body(g, n_inv):
        t = jnp.maximum(lo_v[pl.ds(g * 16, 16)], hi_v[pl.ds(g * 16, 16)])
        tc = jnp.maximum(t, 0)
        sw = tc & (_S - 1)
        base = (bbase + (tc >> 11) * (_D * _S)
                + (sw >> 7) * 1024 + (sw & 127))
        inv = t < 0
        validf_v[pl.ds(g * 16, 16)] = jnp.where(inv, jnp.float32(0.0),
                                                jnp.float32(1.0))
        tb = (g >> 3) * 1024 + (g & 7) * 16
        for dhl in range(2):
            for dlo in range(8):
                dphys = (half * 2 + dhl) * (_D * _S // 4) + dlo * 128
                idx_v[pl.ds(tb + dhl * 16384 + dlo * 128, 16)] = base + dphys
        return n_inv + jnp.sum(inv.astype(jnp.int32))

    n_inv = lax.fori_loop(0, _S // 16, merge_body, jnp.int32(0))

    pltpu.async_copy(h_hbm.at[idx_v], vals_v, sem).wait()

    @pl.when(n_inv > 0)
    def _fix():
        def fix_body(v, carry):
            m = validf_v[pl.ds(((v >> 6) & 15) * 128 + (v & 7) * 16, 16)]
            vals_v[pl.ds(v * 16, 16)] = vals_v[pl.ds(v * 16, 16)] * m
            return carry

        lax.fori_loop(0, _NIDX // 16, fix_body, jnp.int32(0))

    for dhl in range(2):
        pltpu.sync_copy(
            vals_v.at[pl.ds(dhl * 16384, 16384)],
            out_hbm.at[pl.ds(b * (_D * _S) + (half * 2 + dhl) * 16384,
                             16384)])


@jax.jit
def _realign(h_flat, pos_t):
    mesh = plsc.VectorSubcoreMesh(core_axis_name="c", subcore_axis_name="s")
    return pl.kernel(
        _body,
        mesh=mesh,
        compiler_params=pltpu.CompilerParams(needs_layout_passes=False,
                                             disable_bounds_checks=True),
        out_type=jax.ShapeDtypeStruct((_B * _D * _S,), jnp.float32),
        scratch_types=[
            pltpu.VMEM((_E, _S // 2), jnp.int32),
            pltpu.VMEM((_S,), jnp.int32),
            pltpu.VMEM((_S,), jnp.int32),
            pltpu.VMEM((_S,), jnp.int32),
            pltpu.VMEM((_S,), jnp.float32),
            pltpu.VMEM((_NIDX,), jnp.int32),
            pltpu.VMEM((_NIDX,), jnp.float32),
            pltpu.VMEM_SHARED((16, _S), jnp.int32),
            pltpu.SemaphoreType.DMA,
        ],
    )(h_flat, pos_t)


def kernel(history_embedding_multivariate, seq_positions_multivariate,
           seq_length):
    del seq_length
    h = history_embedding_multivariate
    B, E, S, D = h.shape
    h_flat = (h.reshape(B, E, S // 128, 128, D // 8, 8)
              .transpose(0, 1, 4, 2, 5, 3).reshape(B * E * D * S))
    pos_t = seq_positions_multivariate.astype(jnp.int32).transpose(1, 0, 2)
    out = _realign(h_flat, pos_t)
    return (out.reshape(B, D // 8, S // 128, 8, 128)
            .transpose(0, 2, 4, 1, 3).reshape(B, S, D))

# --- scband reference (transcript-rebuilt; emitter-appended) ---
"""Pipeline reference for scband-encoder-12051678232670 (READ-ONLY COPY).

The authoritative reference and input builder live on the scoring server;
editing this copy changes nothing except your own understanding.
"""

import jax, jax.numpy as jnp
import numpy as np


def setup_inputs(seed: int = 0) -> dict:
    key = jax.random.key(seed)
    k1, k2 = jax.random.split(key)
    B, E, S, D = 16, 20, 2048, 32
    h = jax.random.normal(k1, (B, E, S, D), dtype=jnp.float32)
    pos = jax.random.randint(k2, (B, E, S), 0, 2048)
    return {
        "history_embedding_multivariate": h,
        "seq_positions_multivariate": pos,
        "seq_length": 2048,
    }


def reference(history_embedding_multivariate, seq_positions_multivariate, seq_length):
    # Faithful jax translation of Encoder._multi_to_uni (the scatter-memory core op).
    B, E, S, D = history_embedding_multivariate.shape
    # seq_positions_multivariate[seq_positions_multivariate == -1] = seq_length
    pos = jnp.where(seq_positions_multivariate == -1, seq_length, seq_positions_multivariate)
    # seq_positions_multivariate = seq_positions_multivariate[:, :, :seq_len]
    pos = pos[:, :, :S].reshape(B, E * S)
    h = history_embedding_multivariate.reshape(B, E * S, D)
    # container = zeros(B, E*S+1, D); container.scatter_(dim=1, index, src)
    container = jnp.zeros((B, E * S + 1, D), dtype=h.dtype)
    b_idx = jnp.arange(B)[:, None]
    rec = container.at[b_idx, pos].set(h)
    # recover_embedding[:, :-1, :][seq_positions == seq_length] = 0.0
    mask = (pos == seq_length)
    body = jnp.where(mask[..., None], jnp.float32(0.0), rec[:, :E * S, :])
    rec = rec.at[:, :E * S, :].set(body)
    # return recover_embedding[:, :seq_length, ...]
    return rec[:, :S, :]

if __name__ == "__main__":
    import jax
    _d = setup_inputs()
    print(jax.jit(kernel)(*tuple(_d.values())))

</pallas_src>

<mosaic_0001>
#map = affine_map<(d0, d1) -> (0)>
#map1 = affine_map<(d0, d1) -> (0, 0, 0)>
module attributes {stable_mosaic.version = 14 : i64} {
  func.func @_body(%arg0: i32, %arg1: i32, %arg2: memref<20971520xf32, #tpu.memory_space<hbm>>, %arg3: memref<20x16x2048xi32, #tpu.memory_space<hbm>>, %arg4: memref<1048576xf32, #tpu.memory_space<hbm>>, %arg5: memref<20x1024xi32, #tpu.memory_space<vmem>>, %arg6: memref<2048xi32, #tpu.memory_space<vmem>>, %arg7: memref<2048xi32, #tpu.memory_space<vmem>>, %arg8: memref<2048xi32, #tpu.memory_space<vmem>>, %arg9: memref<2048xf32, #tpu.memory_space<vmem>>, %arg10: memref<32768xi32, #tpu.memory_space<vmem>>, %arg11: memref<32768xf32, #tpu.memory_space<vmem>>, %arg12: memref<16x2048xi32, #tpu.memory_space<vmem_shared>>, %arg13: memref<!tpu.dma_semaphore, #tpu.memory_space<semaphore_mem>>) attributes {dimension_semantics = [#tpu.dimension_semantics<core_parallel>, #tpu.dimension_semantics<subcore_parallel>], iteration_bounds = array<i64: 2, 16>, scalar_prefetch = 0 : i64, scratch_operands = 9 : i64, tpu.core_type = #tpu.core_type<sc_vector_subcore>, window_params = [{transform_indices = #map}, {transform_indices = #map1}, {transform_indices = #map}]} {
    %mul3A = arith.constant 8 : i32
    %mul3A_0 = arith.muli %arg0, %mul3A : i32
    %jit3A = arith.constant 2 : i32
    %div3A = arith.divsi %arg1, %jit3A : i32
    %sign3A = arith.constant 0 : i32
    %sign3A_1 = arith.cmpi sgt, %arg1, %sign3A : i32
    %sign3A_2 = arith.extui %sign3A_1 : i1 to i32
    %sign3A_3 = arith.constant 0 : i32
    %sign3A_4 = arith.cmpi slt, %arg1, %sign3A_3 : i32
    %sign3A_5 = arith.extui %sign3A_4 : i1 to i32
    %sign3A_6 = arith.subi %sign3A_2, %sign3A_5 : i32
    %sign3A_7 = arith.constant 0 : i32
    %sign3A_8 = arith.cmpi sgt, %jit3A, %sign3A_7 : i32
    %sign3A_9 = arith.extui %sign3A_8 : i1 to i32
    %sign3A_10 = arith.constant 0 : i32
    %sign3A_11 = arith.cmpi slt, %jit3A, %sign3A_10 : i32
    %sign3A_12 = arith.extui %sign3A_11 : i1 to i32
    %sign3A_13 = arith.subi %sign3A_9, %sign3A_12 : i32
    %ne3A = arith.cmpi ne, %sign3A_6, %sign3A_13 : i32
    %rem3A = arith.remsi %arg1, %jit3A : i32
    %ne3A_14 = arith.constant 0 : i32
    %ne3A_15 = arith.cmpi ne, %rem3A, %ne3A_14 : i32
    %and3A = arith.andi %ne3A, %ne3A_15 : i1
    %sub3A = arith.constant 1 : i32
    %sub3A_16 = arith.subi %div3A, %sub3A : i32
    %select_n3A = arith.select %and3A, %sub3A_16, %div3A : i32
    %add3A = arith.addi %mul3A_0, %select_n3A : i32
    %jit3A_17 = arith.constant 2 : i32
    %eq3A = arith.constant 0 : i32
    %eq3A_18 = arith.cmpi eq, %jit3A_17, %eq3A : i32
    %jit3A_19 = arith.constant 1 : i32
    %select_n3A_20 = arith.select %eq3A_18, %jit3A_19, %jit3A_17 : i32
    %rem3A_21 = arith.remsi %arg1, %select_n3A_20 : i32
    %ne3A_22 = arith.constant 0 : i32
    %ne3A_23 = arith.cmpi ne, %rem3A_21, %ne3A_22 : i32
    %lt3A = arith.constant 0 : i32
    %lt3A_24 = arith.cmpi slt, %rem3A_21, %lt3A : i32
    %lt3A_25 = arith.constant 0 : i32
    %lt3A_26 = arith.cmpi slt, %select_n3A_20, %lt3A_25 : i32
    %ne3A_27 = arith.xori %lt3A_24, %lt3A_26 : i1
    %and3A_28 = arith.andi %ne3A_27, %ne3A_23 : i1
    %add3A_29 = arith.addi %rem3A_21, %select_n3A_20 : i32
    %select_n3A_30 = arith.select %and3A_28, %add3A_29, %rem3A_21 : i32
    %iota3A = tpu.iota {dimensions = array<i32: 0>} : vector<16xi32>
    %mul3A_31 = arith.constant 1024 : i32
    %mul3A_32 = arith.muli %select_n3A_30, %mul3A_31 : i32
    %dma_start3A = arith.constant 0 : i32
    %dma_start3A_33 = tpu.memref_slice %arg3[%dma_start3A, %add3A, %mul3A_32] : memref<20x16x2048xi32, #tpu.memory_space<hbm>> -> memref<20x1x1024xi32, #tpu.memory_space<hbm>>
    %dma_start3A_34 = tpu.memref_squeeze %dma_start3A_33 : memref<20x1x1024xi32, #tpu.memory_space<hbm>> -> memref<20x1024xi32, #tpu.memory_space<hbm>>
    %dma_start3A_35 = arith.constant 0 : i32
    %dma_start3A_36 = tpu.memref_slice %arg3[%dma_start3A_35, %add3A, %mul3A_32] : memref<20x16x2048xi32, #tpu.memory_space<hbm>> -> memref<20x1x1024xi32, #tpu.memory_space<hbm>>
    %dma_start3A_37 = tpu.memref_squeeze %dma_start3A_36 : memref<20x1x1024xi32, #tpu.memory_space<hbm>> -> memref<20x1024xi32, #tpu.memory_space<hbm>>
    tpu.enqueue_dma source(%dma_start3A_37 : memref<20x1024xi32, #tpu.memory_space<hbm>>) target(%arg5 : memref<20x1024xi32, #tpu.memory_space<vmem>>) target_semaphore(%arg13 : memref<!tpu.dma_semaphore, #tpu.memory_space<semaphore_mem>>)
    %broadcast_in_dim3A = arith.constant -1 : i32
    %broadcast_in_dim3A_38 = vector.broadcast %broadcast_in_dim3A : i32 to vector<16xi32>
    %swap3A = arith.constant 0 : index
    %swap3A_39 = tpu.vector_load %arg6[%swap3A] {strides = array<i32>} : memref<2048xi32, #tpu.memory_space<vmem>>, vector<16xi32>,
    tpu.vector_store %arg6[%swap3A], %broadcast_in_dim3A_38 {strides = array<i32>} : memref<2048xi32, #tpu.memory_space<vmem>>, vector<16xi32>,
    %swap3A_40 = arith.constant 16 : index
    %swap3A_41 = tpu.vector_load %arg6[%swap3A_40] {strides = array<i32>} : memref<2048xi32, #tpu.memory_space<vmem>>, vector<16xi32>,
    tpu.vector_store %arg6[%swap3A_40], %broadcast_in_dim3A_38 {strides = array<i32>} : memref<2048xi32, #tpu.memory_space<vmem>>, vector<16xi32>,
    %swap3A_42 = arith.constant 32 : index
    %swap3A_43 = tpu.vector_load %arg6[%swap3A_42] {strides = array<i32>} : memref<2048xi32, #tpu.memory_space<vmem>>, vector<16xi32>,
    tpu.vector_store %arg6[%swap3A_42], %broadcast_in_dim3A_38 {strides = array<i32>} : memref<2048xi32, #tpu.memory_space<vmem>>, vector<16xi32>,
    %swap3A_44 = arith.constant 48 : index
    %swap3A_45 = tpu.vector_load %arg6[%swap3A_44] {strides = array<i32>} : memref<2048xi32, #tpu.memory_space<vmem>>, vector<16xi32>,
    tpu.vector_store %arg6[%swap3A_44], %broadcast_in_dim3A_38 {strides = array<i32>} : memref<2048xi32, #tpu.memory_space<vmem>>, vector<16xi32>,
    %swap3A_46 = arith.constant 64 : index
    %swap3A_47 = tpu.vector_load %arg6[%swap3A_46] {strides = array<i32>} : memref<2048xi32, #tpu.memory_space<vmem>>, vector<16xi32>,
    tpu.vector_store %arg6[%swap3A_46], %broadcast_in_dim3A_38 {strides = array<i32>} : memref<2048xi32, #tpu.memory_space<vmem>>, vector<16xi32>,
    %swap3A_48 = arith.constant 80 : index
    %swap3A_49 = tpu.vector_load %arg6[%swap3A_48] {strides = array<i32>} : memref<2048xi32, #tpu.memory_space<vmem>>, vector<16xi32>,
    tpu.vector_store %arg6[%swap3A_48], %broadcast_in_dim3A_38 {strides = array<i32>} : memref<2048xi32, #tpu.memory_space<vmem>>, vector<16xi32>,
    %swap3A_50 = arith.constant 96 : index
    %swap3A_51 = tpu.vector_load %arg6[%swap3A_50] {strides = array<i32>} : memref<2048xi32, #tpu.memory_space<vmem>>, vector<16xi32>,
    tpu.vector_store %arg6[%swap3A_50], %broadcast_in_dim3A_38 {strides = array<i32>} : memref<2048xi32, #tpu.memory_space<vmem>>, vector<16xi32>,
    %swap3A_52 = arith.constant 112 : index
    %swap3A_53 = tpu.vector_load %arg6[%swap3A_52] {strides = array<i32>} : memref<2048xi32, #tpu.memory_space<vmem>>, vector<16xi32>,
    tpu.vector_store %arg6[%swap3A_52], %broadcast_in_dim3A_38 {strides = array<i32>} : memref<2048xi32, #tpu.memory_space<vmem>>, vector<16xi32>,
    %swap3A_54 = arith.constant 128 : index
    %swap3A_55 = tpu.vector_load %arg6[%swap3A_54] {strides = array<i32>} : memref<2048xi32, #tpu.memory_space<vmem>>, vector<16xi32>,
    tpu.vector_store %arg6[%swap3A_54], %broadcast_in_dim3A_38 {strides = array<i32>} : memref<2048xi32, #tpu.memory_space<vmem>>, vector<16xi32>,
    %swap3A_56 = arith.constant 144 : index
    %swap3A_57 = tpu.vector_load %arg6[%swap3A_56] {strides = array<i32>} : memref<2048xi32, #tpu.memory_space<vmem>>, vector<16xi32>,
    tpu.vector_store %arg6[%swap3A_56], %broadcast_in_dim3A_38 {strides = array<i32>} : memref<2048xi32, #tpu.memory_space<vmem>>, vector<16xi32>,
    %swap3A_58 = arith.constant 160 : index
    %swap3A_59 = tpu.vector_load %arg6[%swap3A_58] {strides = array<i32>} : memref<2048xi32, #tpu.memory_space<vmem>>, vector<16xi32>,
    tpu.vector_store %arg6[%swap3A_58], %broadcast_in_dim3A_38 {strides = array<i32>} : memref<2048xi32, #tpu.memory_space<vmem>>, vector<16xi32>,
    %swap3A_60 = arith.constant 176 : index
    %swap3A_61 = tpu.vector_load %arg6[%swap3A_60] {strides = array<i32>} : memref<2048xi32, #tpu.memory_space<vmem>>, vector<16xi32>,
    tpu.vector_store %arg6[%swap3A_60], %broadcast_in_dim3A_38 {strides = array<i32>} : memref<2048xi32, #tpu.memory_space<vmem>>, vector<16xi32>,
    %swap3A_62 = arith.constant 192 : index
    %swap3A_63 = tpu.vector_load %arg6[%swap3A_62] {strides = array<i32>} : memref<2048xi32, #tpu.memory_space<vmem>>, vector<16xi32>,
    tpu.vector_store %arg6[%swap3A_62], %broadcast_in_dim3A_38 {strides = array<i32>} : memref<2048xi32, #tpu.memory_space<vmem>>, vector<16xi32>,
    %swap3A_64 = arith.constant 208 : index
    %swap3A_65 = tpu.vector_load %arg6[%swap3A_64] {strides = array<i32>} : memref<2048xi32, #tpu.memory_space<vmem>>, vector<16xi32>,
    tpu.vector_store %arg6[%swap3A_64], %broadcast_in_dim3A_38 {strides = array<i32>} : memref<2048xi32, #tpu.memory_space<vmem>>, vector<16xi32>,
    %swap3A_66 = arith.constant 224 : index
    %swap3A_67 = tpu.vector_load %arg6[%swap3A_66] {strides = array<i32>} : memref<2048xi32, #tpu.memory_space<vmem>>, vector<16xi32>,
    tpu.vector_store %arg6[%swap3A_66], %broadcast_in_dim3A_38 {strides = array<i32>} : memref<2048xi32, #tpu.memory_space<vmem>>, vector<16xi32>,
    %swap3A_68 = arith.constant 240 : index
    %swap3A_69 = tpu.vector_load %arg6[%swap3A_68] {strides = array<i32>} : memref<2048xi32, #tpu.memory_space<vmem>>, vector<16xi32>,
    tpu.vector_store %arg6[%swap3A_68], %broadcast_in_dim3A_38 {strides = array<i32>} : memref<2048xi32, #tpu.memory_space<vmem>>, vector<16xi32>,
    %swap3A_70 = arith.constant 256 : index
    %swap3A_71 = tpu.vector_load %arg6[%swap3A_70] {strides = array<i32>} : memref<2048xi32, #tpu.memory_space<vmem>>, vector<16xi32>,
    tpu.vector_store %arg6[%swap3A_70], %broadcast_in_dim3A_38 {strides = array<i32>} : memref<2048xi32, #tpu.memory_space<vmem>>, vector<16xi32>,
    %swap3A_72 = arith.constant 272 : index
    %swap3A_73 = tpu.vector_load %arg6[%swap3A_72] {strides = array<i32>} : memref<2048xi32, #tpu.memory_space<vmem>>, vector<16xi32>,
    tpu.vector_store %arg6[%swap3A_72], %broadcast_in_dim3A_38 {strides = array<i32>} : memref<2048xi32, #tpu.memory_space<vmem>>, vector<16xi32>,
    %swap3A_74 = arith.constant 288 : index
    %swap3A_75 = tpu.vector_load %arg6[%swap3A_74] {strides = array<i32>} : memref<2048xi32, #tpu.memory_space<vmem>>, vector<16xi32>,
    tpu.vector_store %arg6[%swap3A_74], %broadcast_in_dim3A_38 {strides = array<i32>} : memref<2048xi32, #tpu.memory_space<vmem>>, vector<16xi32>,
    %swap3A_76 = arith.constant 304 : index
    %swap3A_77 = tpu.vector_load %arg6[%swap3A_76] {strides = array<i32>} : memref<2048xi32, #tpu.memory_space<vmem>>, vector<16xi32>,
    tpu.vector_store %arg6[%swap3A_76], %broadcast_in_dim3A_38 {strides = array<i32>} : memref<2048xi32, #tpu.memory_space<vmem>>, vector<16xi32>,
    %swap3A_78 = arith.constant 320 : index
    %swap3A_79 = tpu.vector_load %arg6[%swap3A_78] {strides = array<i32>} : memref<2048xi32, #tpu.memory_space<vmem>>, vector<16xi32>,
    tpu.vector_store %arg6[%swap3A_78], %broadcast_in_dim3A_38 {strides = array<i32>} : memref<2048xi32, #tpu.memory_space<vmem>>, vector<16xi32>,
    %swap3A_80 = arith.constant 336 : index
    %swap3A_81 = tpu.vector_load %arg6[%swap3A_80] {strides = array<i32>} : memref<2048xi32, #tpu.memory_space<vmem>>, vector<16xi32>,
    tpu.vector_store %arg6[%swap3A_80], %broadcast_in_dim3A_38 {strides = array<i32>} : memref<2048xi32, #tpu.memory_space<vmem>>, vector<16xi32>,
    %swap3A_82 = arith.constant 352 : index
    %swap3A_83 = tpu.vector_load %arg6[%swap3A_82] {strides = array<i32>} : memref<2048xi32, #tpu.memory_space<vmem>>, vector<16xi32>,
    tpu.vector_store %arg6[%swap3A_82], %broadcast_in_dim3A_38 {strides = array<i32>} : memref<2048xi32, #tpu.memory_space<vmem>>, vector<16xi32>,
    %swap3A_84 = arith.constant 368 : index
    %swap3A_85 = tpu.vector_load %arg6[%swap3A_84] {strides = array<i32>} : memref<2048xi32, #tpu.memory_space<vmem>>, vector<16xi32>,
    tpu.vector_store %arg6[%swap3A_84], %broadcast_in_dim3A_38 {strides = array<i32>} : memref<2048xi32, #tpu.memory_space<vmem>>, vector<16xi32>,
    %swap3A_86 = arith.constant 384 : index
    %swap3A_87 = tpu.vector_load %arg6[%swap3A_86] {strides = array<i32>} : memref<2048xi32, #tpu.memory_space<vmem>>, vector<16xi32>,
    tpu.vector_store %arg6[%swap3A_86], %broadcast_in_dim3A_38 {strides = array<i32>} : memref<2048xi32, #tpu.memory_space<vmem>>, vector<16xi32>,
    %swap3A_88 = arith.constant 400 : index
    %swap3A_89 = tpu.vector_load %arg6[%swap3A_88] {strides = array<i32>} : memref<2048xi32, #tpu.memory_space<vmem>>, vector<16xi32>,
    tpu.vector_store %arg6[%swap3A_88], %broadcast_in_dim3A_38 {strides = array<i32>} : memref<2048xi32, #tpu.memory_space<vmem>>, vector<16xi32>,
    %swap3A_90 = arith.constant 416 : index
    %swap3A_91 = tpu.vector_load %arg6[%swap3A_90] {strides = array<i32>} : memref<2048xi32, #tpu.memory_space<vmem>>, vector<16xi32>,
    tpu.vector_store %arg6[%swap3A_90], %broadcast_in_dim3A_38 {strides = array<i32>} : memref<2048xi32, #tpu.memory_space<vmem>>, vector<16xi32>,
    %swap3A_92 = arith.constant 432 : index
    %swap3A_93 = tpu.vector_load %arg6[%swap3A_92] {strides = array<i32>} : memref<2048xi32, #tpu.memory_space<vmem>>, vector<16xi32>,
    tpu.vector_store %arg6[%swap3A_92], %broadcast_in_dim3A_38 {strides = array<i32>} : memref<2048xi32, #tpu.memory_space<vmem>>, vector<16xi32>,
    %swap3A_94 = arith.constant 448 : index
    %swap3A_95 = tpu.vector_load %arg6[%swap3A_94] {strides = array<i32>} : memref<2048xi32, #tpu.memory_space<vmem>>, vector<16xi32>,
    tpu.vector_store %arg6[%swap3A_94], %broadcast_in_dim3A_38 {strides = array<i32>} : memref<2048xi32, #tpu.memory_space<vmem>>, vector<16xi32>,
    %swap3A_96 = arith.constant 464 : index
    %swap3A_97 = tpu.vector_load %arg6[%swap3A_96] {strides = array<i32>} : memref<2048xi32, #tpu.memory_space<vmem>>, vector<16xi32>,
    tpu.vector_store %arg6[%swap3A_96], %broadcast_in_dim3A_38 {strides = array<i32>} : memref<2048xi32, #tpu.memory_space<vmem>>, vector<16xi32>,
    %swap3A_98 = arith.constant 480 : index
    %swap3A_99 = tpu.vector_load %arg6[%swap3A_98] {strides = array<i32>} : memref<2048xi32, #tpu.memory_space<vmem>>, vector<16xi32>,
    tpu.vector_store %arg6[%swap3A_98], %broadcast_in_dim3A_38 {strides = array<i32>} : memref<2048xi32, #tpu.memory_space<vmem>>, vector<16xi32>,
    %swap3A_100 = arith.constant 496 : index
    %swap3A_101 = tpu.vector_load %arg6[%swap3A_100] {strides = array<i32>} : memref<2048xi32, #tpu.memory_space<vmem>>, vector<16xi32>,
    tpu.vector_store %arg6[%swap3A_100], %broadcast_in_dim3A_38 {strides = array<i32>} : memref<2048xi32, #tpu.memory_space<vmem>>, vector<16xi32>,
    %swap3A_102 = arith.constant 512 : index
    %swap3A_103 = tpu.vector_load %arg6[%swap3A_102] {strides = array<i32>} : memref<2048xi32, #tpu.memory_space<vmem>>, vector<16xi32>,
    tpu.vector_store %arg6[%swap3A_102], %broadcast_in_dim3A_38 {strides = array<i32>} : memref<2048xi32, #tpu.memory_space<vmem>>, vector<16xi32>,
    %swap3A_104 = arith.constant 528 : index
    %swap3A_105 = tpu.vector_load %arg6[%swap3A_104] {strides = array<i32>} : memref<2048xi32, #tpu.memory_space<vmem>>, vector<16xi32>,
    tpu.vector_store %arg6[%swap3A_104], %broadcast_in_dim3A_38 {strides = array<i32>} : memref<2048xi32, #tpu.memory_space<vmem>>, vector<16xi32>,
    %swap3A_106 = arith.constant 544 : index
    %swap3A_107 = tpu.vector_load %arg6[%swap3A_106] {strides = array<i32>} : memref<2048xi32, #tpu.memory_space<vmem>>, vector<16xi32>,
    tpu.vector_store %arg6[%swap3A_106], %broadcast_in_dim3A_38 {strides = array<i32>} : memref<2048xi32, #tpu.memory_space<vmem>>, vector<16xi32>,
    %swap3A_108 = arith.constant 560 : index
    %swap3A_109 = tpu.vector_load %arg6[%swap3A_108] {strides = array<i32>} : memref<2048xi32, #tpu.memory_space<vmem>>, vector<16xi32>,
    tpu.vector_store %arg6[%swap3A_108], %broadcast_in_dim3A_38 {strides = array<i32>} : memref<2048xi32, #tpu.memory_space<vmem>>, vector<16xi32>,
    %swap3A_110 = arith.constant 576 : index
    %swap3A_111 = tpu.vector_load %arg6[%swap3A_110] {strides = array<i32>} : memref<2048xi32, #tpu.memory_space<vmem>>, vector<16xi32>,
    tpu.vector_store %arg6[%swap3A_110], %broadcast_in_dim3A_38 {strides = array<i32>} : memref<2048xi32, #tpu.memory_space<vmem>>, vector<16xi32>,
    %swap3A_112 = arith.constant 592 : index
    %swap3A_113 = tpu.vector_load %arg6[%swap3A_112] {strides = array<i32>} : memref<2048xi32, #tpu.memory_space<vmem>>, vector<16xi32>,
    tpu.vector_store %arg6[%swap3A_112], %broadcast_in_dim3A_38 {strides = array<i32>} : memref<2048xi32, #tpu.memory_space<vmem>>, vector<16xi32>,
    %swap3A_114 = arith.constant 608 : index
    %swap3A_115 = tpu.vector_load %arg6[%swap3A_114] {strides = array<i32>} : memref<2048xi32, #tpu.memory_space<vmem>>, vector<16xi32>,
    tpu.vector_store %arg6[%swap3A_114], %broadcast_in_dim3A_38 {strides = array<i32>} : memref<2048xi32, #tpu.memory_space<vmem>>, vector<16xi32>,
    %swap3A_116 = arith.constant 624 : index
    %swap3A_117 = tpu.vector_load %arg6[%swap3A_116] {strides = array<i32>} : memref<2048xi32, #tpu.memory_space<vmem>>, vector<16xi32>,
    tpu.vector_store %arg6[%swap3A_116], %broadcast_in_dim3A_38 {strides = array<i32>} : memref<2048xi32, #tpu.memory_space<vmem>>, vector<16xi32>,
    %swap3A_118 = arith.constant 640 : index
    %swap3A_119 = tpu.vector_load %arg6[%swap3A_118] {strides = array<i32>} : memref<2048xi32, #tpu.memory_space<vmem>>, vector<16xi32>,
    tpu.vector_store %arg6[%swap3A_118], %broadcast_in_dim3A_38 {strides = array<i32>} : memref<2048xi32, #tpu.memory_space<vmem>>, vector<16xi32>,
    %swap3A_120 = arith.constant 656 : index
    %swap3A_121 = tpu.vector_load %arg6[%swap3A_120] {strides = array<i32>} : memref<2048xi32, #tpu.memory_space<vmem>>, vector<16xi32>,
    tpu.vector_store %arg6[%swap3A_120], %broadcast_in_dim3A_38 {strides = array<i32>} : memref<2048xi32, #tpu.memory_space<vmem>>, vector<16xi32>,
    %swap3A_122 = arith.constant 672 : index
    %swap3A_123 = tpu.vector_load %arg6[%swap3A_122] {strides = array<i32>} : memref<2048xi32, #tpu.memory_space<vmem>>, vector<16xi32>,
    tpu.vector_store %arg6[%swap3A_122], %broadcast_in_dim3A_38 {strides = array<i32>} : memref<2048xi32, #tpu.memory_space<vmem>>, vector<16xi32>,
    %swap3A_124 = arith.constant 688 : index
    %swap3A_125 = tpu.vector_load %arg6[%swap3A_124] {strides = array<i32>} : memref<2048xi32, #tpu.memory_space<vmem>>, vector<16xi32>,
    tpu.vector_store %arg6[%swap3A_124], %broadcast_in_dim3A_38 {strides = array<i32>} : memref<2048xi32, #tpu.memory_space<vmem>>, vector<16xi32>,
    %swap3A_126 = arith.constant 704 : index
    %swap3A_127 = tpu.vector_load %arg6[%swap3A_126] {strides = array<i32>} : memref<2048xi32, #tpu.memory_space<vmem>>, vector<16xi32>,
    tpu.vector_store %arg6[%swap3A_126], %broadcast_in_dim3A_38 {strides = array<i32>} : memref<2048xi32, #tpu.memory_space<vmem>>, vector<16xi32>,
    %swap3A_128 = arith.constant 720 : index
    %swap3A_129 = tpu.vector_load %arg6[%swap3A_128] {strides = array<i32>} : memref<2048xi32, #tpu.memory_space<vmem>>, vector<16xi32>,
    tpu.vector_store %arg6[%swap3A_128], %broadcast_in_dim3A_38 {strides = array<i32>} : memref<2048xi32, #tpu.memory_space<vmem>>, vector<16xi32>,
    %swap3A_130 = arith.constant 736 : index
    %swap3A_131 = tpu.vector_load %arg6[%swap3A_130] {strides = array<i32>} : memref<2048xi32, #tpu.memory_space<vmem>>, vector<16xi32>,
    tpu.vector_store %arg6[%swap3A_130], %broadcast_in_dim3A_38 {strides = array<i32>} : memref<2048xi32, #tpu.memory_space<vmem>>, vector<16xi32>,
    %swap3A_132 = arith.constant 752 : index
    %swap3A_133 = tpu.vector_load %arg6[%swap3A_132] {strides = array<i32>} : memref<2048xi32, #tpu.memory_space<vmem>>, vector<16xi32>,
    tpu.vector_store %arg6[%swap3A_132], %broadcast_in_dim3A_38 {strides = array<i32>} : memref<2048xi32, #tpu.memory_space<vmem>>, vector<16xi32>,
    %swap3A_134 = arith.constant 768 : index
    %swap3A_135 = tpu.vector_load %arg6[%swap3A_134] {strides = array<i32>} : memref<2048xi32, #tpu.memory_space<vmem>>, vector<16xi32>,
    tpu.vector_store %arg6[%swap3A_134], %broadcast_in_dim3A_38 {strides = array<i32>} : memref<2048xi32, #tpu.memory_space<vmem>>, vector<16xi32>,
    %swap3A_136 = arith.constant 784 : index
    %swap3A_137 = tpu.vector_load %arg6[%swap3A_136] {strides = array<i32>} : memref<2048xi32, #tpu.memory_space<vmem>>, vector<16xi32>,
    tpu.vector_store %arg6[%swap3A_136], %broadcast_in_dim3A_38 {strides = array<i32>} : memref<2048xi32, #tpu.memory_space<vmem>>, vector<16xi32>,
    %swap3A_138 = arith.constant 800 : index
    %swap3A_139 = tpu.vector_load %arg6[%swap3A_138] {strides = array<i32>} : memref<2048xi32, #tpu.memory_space<vmem>>, vector<16xi32>,
    tpu.vector_store %arg6[%swap3A_138], %broadcast_in_dim3A_38 {strides = array<i32>} : memref<2048xi32, #tpu.memory_space<vmem>>, vector<16xi32>,
    %swap3A_140 = arith.constant 816 : index
    %swap3A_141 = tpu.vector_load %arg6[%swap3A_140] {strides = array<i32>} : memref<2048xi32, #tpu.memory_space<vmem>>, vector<16xi32>,
    tpu.vector_store %arg6[%swap3A_140], %broadcast_in_dim3A_38 {strides = array<i32>} : memref<2048xi32, #tpu.memory_space<vmem>>, vector<16xi32>,
    %swap3A_142 = arith.constant 832 : index
    %swap3A_143 = tpu.vector_load %arg6[%swap3A_142] {strides = array<i32>} : memref<2048xi32, #tpu.memory_space<vmem>>, vector<16xi32>,
    tpu.vector_store %arg6[%swap3A_142], %broadcast_in_dim3A_38 {strides = array<i32>} : memref<2048xi32, #tpu.memory_space<vmem>>, vector<16xi32>,
    %swap3A_144 = arith.constant 848 : index
    %swap3A_145 = tpu.vector_load %arg6[%swap3A_144] {strides = array<i32>} : memref<2048xi32, #tpu.memory_space<vmem>>, vector<16xi32>,
    tpu.vector_store %arg6[%swap3A_144], %broadcast_in_dim3A_38 {strides = array<i32>} : memref<2048xi32, #tpu.memory_space<vmem>>, vector<16xi32>,
    %swap3A_146 = arith.constant 864 : index
    %swap3A_147 = tpu.vector_load %arg6[%swap3A_146] {strides = array<i32>} : memref<2048xi32, #tpu.memory_space<vmem>>, vector<16xi32>,
    tpu.vector_store %arg6[%swap3A_146], %broadcast_in_dim3A_38 {strides = array<i32>} : memref<2048xi32, #tpu.memory_space<vmem>>, vector<16xi32>,
    %swap3A_148 = arith.constant 880 : index
    %swap3A_149 = tpu.vector_load %arg6[%swap3A_148] {strides = array<i32>} : memref<2048xi32, #tpu.memory_space<vmem>>, vector<16xi32>,
    tpu.vector_store %arg6[%swap3A_148], %broadcast_in_dim3A_38 {strides = array<i32>} : memref<2048xi32, #tpu.memory_space<vmem>>, vector<16xi32>,
    %swap3A_150 = arith.constant 896 : index
    %swap3A_151 = tpu.vector_load %arg6[%swap3A_150] {strides = array<i32>} : memref<2048xi32, #tpu.memory_space<vmem>>, vector<16xi32>,
    tpu.vector_store %arg6[%swap3A_150], %broadcast_in_dim3A_38 {strides = array<i32>} : memref<2048xi32, #tpu.memory_space<vmem>>, vector<16xi32>,
    %swap3A_152 = arith.constant 912 : index
    %swap3A_153 = tpu.vector_load %arg6[%swap3A_152] {strides = array<i32>} : memref<2048xi32, #tpu.memory_space<vmem>>, vector<16xi32>,
    tpu.vector_store %arg6[%swap3A_152], %broadcast_in_dim3A_38 {strides = array<i32>} : memref<2048xi32, #tpu.memory_space<vmem>>, vector<16xi32>,
    %swap3A_154 = arith.constant 928 : index
    %swap3A_155 = tpu.vector_load %arg6[%swap3A_154] {strides = array<i32>} : memref<2048xi32, #tpu.memory_space<vmem>>, vector<16xi32>,
    tpu.vector_store %arg6[%swap3A_154], %broadcast_in_dim3A_38 {strides = array<i32>} : memref<2048xi32, #tpu.memory_space<vmem>>, vector<16xi32>,
    %swap3A_156 = arith.constant 944 : index
    %swap3A_157 = tpu.vector_load %arg6[%swap3A_156] {strides = array<i32>} : memref<2048xi32, #tpu.memory_space<vmem>>, vector<16xi32>,
    tpu.vector_store %arg6[%swap3A_156], %broadcast_in_dim3A_38 {strides = array<i32>} : memref<2048xi32, #tpu.memory_space<vmem>>, vector<16xi32>,
    %swap3A_158 = arith.constant 960 : index
    %swap3A_159 = tpu.vector_load %arg6[%swap3A_158] {strides = array<i32>} : memref<2048xi32, #tpu.memory_space<vmem>>, vector<16xi32>,
    tpu.vector_store %arg6[%swap3A_158], %broadcast_in_dim3A_38 {strides = array<i32>} : memref<2048xi32, #tpu.memory_space<vmem>>, vector<16xi32>,
    %swap3A_160 = arith.constant 976 : index
    %swap3A_161 = tpu.vector_load %arg6[%swap3A_160] {strides = array<i32>} : memref<2048xi32, #tpu.memory_space<vmem>>, vector<16xi32>,
    tpu.vector_store %arg6[%swap3A_160], %broadcast_in_dim3A_38 {strides = array<i32>} : memref<2048xi32, #tpu.memory_space<vmem>>, vector<16xi32>,
    %swap3A_162 = arith.constant 992 : index
    %swap3A_163 = tpu.vector_load %arg6[%swap3A_162] {strides = array<i32>} : memref<2048xi32, #tpu.memory_space<vmem>>, vector<16xi32>,
    tpu.vector_store %arg6[%swap3A_162], %broadcast_in_dim3A_38 {strides = array<i32>} : memref<2048xi32, #tpu.memory_space<vmem>>, vector<16xi32>,
    %swap3A_164 = arith.constant 1008 : index
    %swap3A_165 = tpu.vector_load %arg6[%swap3A_164] {strides = array<i32>} : memref<2048xi32, #tpu.memory_space<vmem>>, vector<16xi32>,
    tpu.vector_store %arg6[%swap3A_164], %broadcast_in_dim3A_38 {strides = array<i32>} : memref<2048xi32, #tpu.memory_space<vmem>>, vector<16xi32>,
    %swap3A_166 = arith.constant 1024 : index
    %swap3A_167 = tpu.vector_load %arg6[%swap3A_166] {strides = array<i32>} : memref<2048xi32, #tpu.memory_space<vmem>>, vector<16xi32>,
    tpu.vector_store %arg6[%swap3A_166], %broadcast_in_dim3A_38 {strides = array<i32>} : memref<2048xi32, #tpu.memory_space<vmem>>, vector<16xi32>,
    %swap3A_168 = arith.constant 1040 : index
    %swap3A_169 = tpu.vector_load %arg6[%swap3A_168] {strides = array<i32>} : memref<2048xi32, #tpu.memory_space<vmem>>, vector<16xi32>,
    tpu.vector_store %arg6[%swap3A_168], %broadcast_in_dim3A_38 {strides = array<i32>} : memref<2048xi32, #tpu.memory_space<vmem>>, vector<16xi32>,
    %swap3A_170 = arith.constant 1056 : index
    %swap3A_171 = tpu.vector_load %arg6[%swap3A_170] {strides = array<i32>} : memref<2048xi32, #tpu.memory_space<vmem>>, vector<16xi32>,
    tpu.vector_store %arg6[%swap3A_170], %broadcast_in_dim3A_38 {strides = array<i32>} : memref<2048xi32, #tpu.memory_space<vmem>>, vector<16xi32>,
    %swap3A_172 = arith.constant 1072 : index
    %swap3A_173 = tpu.vector_load %arg6[%swap3A_172] {strides = array<i32>} : memref<2048xi32, #tpu.memory_space<vmem>>, vector<16xi32>,
    tpu.vector_store %arg6[%swap3A_172], %broadcast_in_dim3A_38 {strides = array<i32>} : memref<2048xi32, #tpu.memory_space<vmem>>, vector<16xi32>,
    %swap3A_174 = arith.constant 1088 : index
    %swap3A_175 = tpu.vector_load %arg6[%swap3A_174] {strides = array<i32>} : memref<2048xi32, #tpu.memory_space<vmem>>, vector<16xi32>,
    tpu.vector_store %arg6[%swap3A_174], %broadcast_in_dim3A_38 {strides = array<i32>} : memref<2048xi32, #tpu.memory_space<vmem>>, vector<16xi32>,
    %swap3A_176 = arith.constant 1104 : index
    %swap3A_177 = tpu.vector_load %arg6[%swap3A_176] {strides = array<i32>} : memref<2048xi32, #tpu.memory_space<vmem>>, vector<16xi32>,
    tpu.vector_store %arg6[%swap3A_176], %broadcast_in_dim3A_38 {strides = array<i32>} : memref<2048xi32, #tpu.memory_space<vmem>>, vector<16xi32>,
    %swap3A_178 = arith.constant 1120 : index
    %swap3A_179 = tpu.vector_load %arg6[%swap3A_178] {strides = array<i32>} : memref<2048xi32, #tpu.memory_space<vmem>>, vector<16xi32>,
    tpu.vector_store %arg6[%swap3A_178], %broadcast_in_dim3A_38 {strides = array<i32>} : memref<2048xi32, #tpu.memory_space<vmem>>, vector<16xi32>,
    %swap3A_180 = arith.constant 1136 : index
    %swap3A_181 = tpu.vector_load %arg6[%swap3A_180] {strides = array<i32>} : memref<2048xi32, #tpu.memory_space<vmem>>, vector<16xi32>,
    tpu.vector_store %arg6[%swap3A_180], %broadcast_in_dim3A_38 {strides = array<i32>} : memref<2048xi32, #tpu.memory_space<vmem>>, vector<16xi32>,
    %swap3A_182 = arith.constant 1152 : index
    %swap3A_183 = tpu.vector_load %arg6[%swap3A_182] {strides = array<i32>} : memref<2048xi32, #tpu.memory_space<vmem>>, vector<16xi32>,
    tpu.vector_store %arg6[%swap3A_182], %broadcast_in_dim3A_38 {strides = array<i32>} : memref<2048xi32, #tpu.memory_space<vmem>>, vector<16xi32>,
    %swap3A_184 = arith.constant 1168 : index
    %swap3A_185 = tpu.vector_load %arg6[%swap3A_184] {strides = array<i32>} : memref<2048xi32, #tpu.memory_space<vmem>>, vector<16xi32>,
    tpu.vector_store %arg6[%swap3A_184], %broadcast_in_dim3A_38 {strides = array<i32>} : memref<2048xi32, #tpu.memory_space<vmem>>, vector<16xi32>,
    %swap3A_186 = arith.constant 1184 : index
    %swap3A_187 = tpu.vector_load %arg6[%swap3A_186] {strides = array<i32>} : memref<2048xi32, #tpu.memory_space<vmem>>, vector<16xi32>,
    tpu.vector_store %arg6[%swap3A_186], %broadcast_in_dim3A_38 {strides = array<i32>} : memref<2048xi32, #tpu.memory_space<vmem>>, vector<16xi32>,
    %swap3A_188 = arith.constant 1200 : index
    %swap3A_189 = tpu.vector_load %arg6[%swap3A_188] {strides = array<i32>} : memref<2048xi32, #tpu.memory_space<vmem>>, vector<16xi32>,
    tpu.vector_store %arg6[%swap3A_188], %broadcast_in_dim3A_38 {strides = array<i32>} : memref<2048xi32, #tpu.memory_space<vmem>>, vector<16xi32>,
    %swap3A_190 = arith.constant 1216 : index
    %swap3A_191 = tpu.vector_load %arg6[%swap3A_190] {strides = array<i32>} : memref<2048xi32, #tpu.memory_space<vmem>>, vector<16xi32>,
    tpu.vector_store %arg6[%swap3A_190], %broadcast_in_dim3A_38 {strides = array<i32>} : memref<2048xi32, #tpu.memory_space<vmem>>, vector<16xi32>,
    %swap3A_192 = arith.constant 1232 : index
    %swap3A_193 = tpu.vector_load %arg6[%swap3A_192] {strides = array<i32>} : memref<2048xi32, #tpu.memory_space<vmem>>, vector<16xi32>,
    tpu.vector_store %arg6[%swap3A_192], %broadcast_in_dim3A_38 {strides = array<i32>} : memref<2048xi32, #tpu.memory_space<vmem>>, vector<16xi32>,
    %swap3A_194 = arith.constant 1248 : index
    %swap3A_195 = tpu.vector_load %arg6[%swap3A_194] {strides = array<i32>} : memref<2048xi32, #tpu.memory_space<vmem>>, vector<16xi32>,
    tpu.vector_store %arg6[%swap3A_194], %broadcast_in_dim3A_38 {strides = array<i32>} : memref<2048xi32, #tpu.memory_space<vmem>>, vector<16xi32>,
    %swap3A_196 = arith.constant 1264 : index
    %swap3A_197 = tpu.vector_load %arg6[%swap3A_196] {strides = array<i32>} : memref<2048xi32, #tpu.memory_space<vmem>>, vector<16xi32>,
    tpu.vector_store %arg6[%swap3A_196], %broadcast_in_dim3A_38 {strides = array<i32>} : memref<2048xi32, #tpu.memory_space<vmem>>, vector<16xi32>,
    %swap3A_198 = arith.constant 1280 : index
    %swap3A_199 = tpu.vector_load %arg6[%swap3A_198] {strides = array<i32>} : memref<2048xi32, #tpu.memory_space<vmem>>, vector<16xi32>,
    tpu.vector_store %arg6[%swap3A_198], %broadcast_in_dim3A_38 {strides = array<i32>} : memref<2048xi32, #tpu.memory_space<vmem>>, vector<16xi32>,
    %swap3A_200 = arith.constant 1296 : index
    %swap3A_201 = tpu.vector_load %arg6[%swap3A_200] {strides = array<i32>} : memref<2048xi32, #tpu.memory_space<vmem>>, vector<16xi32>,
    tpu.vector_store %arg6[%swap3A_200], %broadcast_in_dim3A_38 {strides = array<i32>} : memref<2048xi32, #tpu.memory_space<vmem>>, vector<16xi32>,
    %swap3A_202 = arith.constant 1312 : index
    %swap3A_203 = tpu.vector_load %arg6[%swap3A_202] {strides = array<i32>} : memref<2048xi32, #tpu.memory_space<vmem>>, vector<16xi32>,
    tpu.vector_store %arg6[%swap3A_202], %broadcast_in_dim3A_38 {strides = array<i32>} : memref<2048xi32, #tpu.memory_space<vmem>>, vector<16xi32>,
    %swap3A_204 = arith.constant 1328 : index
    %swap3A_205 = tpu.vector_load %arg6[%swap3A_204] {strides = array<i32>} : memref<2048xi32, #tpu.memory_space<vmem>>, vector<16xi32>,
    tpu.vector_store %arg6[%swap3A_204], %broadcast_in_dim3A_38 {strides = array<i32>} : memref<2048xi32, #tpu.memory_space<vmem>>, vector<16xi32>,
    %swap3A_206 = arith.constant 1344 : index
    %swap3A_207 = tpu.vector_load %arg6[%swap3A_206] {strides = array<i32>} : memref<2048xi32, #tpu.memory_space<vmem>>, vector<16xi32>,
    tpu.vector_store %arg6[%swap3A_206], %broadcast_in_dim3A_38 {strides = array<i32>} : memref<2048xi32, #tpu.memory_space<vmem>>, vector<16xi32>,
    %swap3A_208 = arith.constant 1360 : index
    %swap3A_209 = tpu.vector_load %arg6[%swap3A_208] {strides = array<i32>} : memref<2048xi32, #tpu.memory_space<vmem>>, vector<16xi32>,
    tpu.vector_store %arg6[%swap3A_208], %broadcast_in_dim3A_38 {strides = array<i32>} : memref<2048xi32, #tpu.memory_space<vmem>>, vector<16xi32>,
    %swap3A_210 = arith.constant 1376 : index
    %swap3A_211 = tpu.vector_load %arg6[%swap3A_210] {strides = array<i32>} : memref<2048xi32, #tpu.memory_space<vmem>>, vector<16xi32>,
    tpu.vector_store %arg6[%swap3A_210], %broadcast_in_dim3A_38 {strides = array<i32>} : memref<2048xi32, #tpu.memory_space<vmem>>, vector<16xi32>,
    %swap3A_212 = arith.constant 1392 : index
    %swap3A_213 = tpu.vector_load %arg6[%swap3A_212] {strides = array<i32>} : memref<2048xi32, #tpu.memory_space<vmem>>, vector<16xi32>,
    tpu.vector_store %arg6[%swap3A_212], %broadcast_in_dim3A_38 {strides = array<i32>} : memref<2048xi32, #tpu.memory_space<vmem>>, vector<16xi32>,
    %swap3A_214 = arith.constant 1408 : index
    %swap3A_215 = tpu.vector_load %arg6[%swap3A_214] {strides = array<i32>} : memref<2048xi32, #tpu.memory_space<vmem>>, vector<16xi32>,
    tpu.vector_store %arg6[%swap3A_214], %broadcast_in_dim3A_38 {strides = array<i32>} : memref<2048xi32, #tpu.memory_space<vmem>>, vector<16xi32>,
    %swap3A_216 = arith.constant 1424 : index
    %swap3A_217 = tpu.vector_load %arg6[%swap3A_216] {strides = array<i32>} : memref<2048xi32, #tpu.memory_space<vmem>>, vector<16xi32>,
    tpu.vector_store %arg6[%swap3A_216], %broadcast_in_dim3A_38 {strides = array<i32>} : memref<2048xi32, #tpu.memory_space<vmem>>, vector<16xi32>,
    %swap3A_218 = arith.constant 1440 : index
    %swap3A_219 = tpu.vector_load %arg6[%swap3A_218] {strides = array<i32>} : memref<2048xi32, #tpu.memory_space<vmem>>, vector<16xi32>,
    tpu.vector_store %arg6[%swap3A_218], %broadcast_in_dim3A_38 {strides = array<i32>} : memref<2048xi32, #tpu.memory_space<vmem>>, vector<16xi32>,
    %swap3A_220 = arith.constant 1456 : index
    %swap3A_221 = tpu.vector_load %arg6[%swap3A_220] {strides = array<i32>} : memref<2048xi32, #tpu.memory_space<vmem>>, vector<16xi32>,
    tpu.vector_store %arg6[%swap3A_220], %broadcast_in_dim3A_38 {strides = array<i32>} : memref<2048xi32, #tpu.memory_space<vmem>>, vector<16xi32>,
    %swap3A_222 = arith.constant 1472 : index
    %swap3A_223 = tpu.vector_load %arg6[%swap3A_222] {strides = array<i32>} : memref<2048xi32, #tpu.memory_space<vmem>>, vector<16xi32>,
    tpu.vector_store %arg6[%swap3A_222], %broadcast_in_dim3A_38 {strides = array<i32>} : memref<2048xi32, #tpu.memory_space<vmem>>, vector<16xi32>,
    %swap3A_224 = arith.constant 1488 : index
    %swap3A_225 = tpu.vector_load %arg6[%swap3A_224] {strides = array<i32>} : memref<2048xi32, #tpu.memory_space<vmem>>, vector<16xi32>,
    tpu.vector_store %arg6[%swap3A_224], %broadcast_in_dim3A_38 {strides = array<i32>} : memref<2048xi32, #tpu.memory_space<vmem>>, vector<16xi32>,
    %swap3A_226 = arith.constant 1504 : index
    %swap3A_227 = tpu.vector_load %arg6[%swap3A_226] {strides = array<i32>} : memref<2048xi32, #tpu.memory_space<vmem>>, vector<16xi32>,
    tpu.vector_store %arg6[%swap3A_226], %broadcast_in_dim3A_38 {strides = array<i32>} : memref<2048xi32, #tpu.memory_space<vmem>>, vector<16xi32>,
    %swap3A_228 = arith.constant 1520 : index
    %swap3A_229 = tpu.vector_load %arg6[%swap3A_228] {strides = array<i32>} : memref<2048xi32, #tpu.memory_space<vmem>>, vector<16xi32>,
    tpu.vector_store %arg6[%swap3A_228], %broadcast_in_dim3A_38 {strides = array<i32>} : memref<2048xi32, #tpu.memory_space<vmem>>, vector<16xi32>,
    %swap3A_230 = arith.constant 1536 : index
    %swap3A_231 = tpu.vector_load %arg6[%swap3A_230] {strides = array<i32>} : memref<2048xi32, #tpu.memory_space<vmem>>, vector<16xi32>,
    tpu.vector_store %arg6[%swap3A_230], %broadcast_in_dim3A_38 {strides = array<i32>} : memref<2048xi32, #tpu.memory_space<vmem>>, vector<16xi32>,
    %swap3A_232 = arith.constant 1552 : index
    %swap3A_233 = tpu.vector_load %arg6[%swap3A_232] {strides = array<i32>} : memref<2048xi32, #tpu.memory_space<vmem>>, vector<16xi32>,
    tpu.vector_store %arg6[%swap3A_232], %broadcast_in_dim3A_38 {strides = array<i32>} : memref<2048xi32, #tpu.memory_space<vmem>>, vector<16xi32>,
    %swap3A_234 = arith.constant 1568 : index
    %swap3A_235 = tpu.vector_load %arg6[%swap3A_234] {strides = array<i32>} : memref<2048xi32, #tpu.memory_space<vmem>>, vector<16xi32>,
    tpu.vector_store %arg6[%swap3A_234], %broadcast_in_dim3A_38 {strides = array<i32>} : memref<2048xi32, #tpu.memory_space<vmem>>, vector<16xi32>,
    %swap3A_236 = arith.constant 1584 : index
    %swap3A_237 = tpu.vector_load %arg6[%swap3A_236] {strides = array<i32>} : memref<2048xi32, #tpu.memory_space<vmem>>, vector<16xi32>,
    tpu.vector_store %arg6[%swap3A_236], %broadcast_in_dim3A_38 {strides = array<i32>} : memref<2048xi32, #tpu.memory_space<vmem>>, vector<16xi32>,
    %swap3A_238 = arith.constant 1600 : index
    %swap3A_239 = tpu.vector_load %arg6[%swap3A_238] {strides = array<i32>} : memref<2048xi32, #tpu.memory_space<vmem>>, vector<16xi32>,
    tpu.vector_store %arg6[%swap3A_238], %broadcast_in_dim3A_38 {strides = array<i32>} : memref<2048xi32, #tpu.memory_space<vmem>>, vector<16xi32>,
    %swap3A_240 = arith.constant 1616 : index
    %swap3A_241 = tpu.vector_load %arg6[%swap3A_240] {strides = array<i32>} : memref<2048xi32, #tpu.memory_space<vmem>>, vector<16xi32>,
    tpu.vector_store %arg6[%swap3A_240], %broadcast_in_dim3A_38 {strides = array<i32>} : memref<2048xi32, #tpu.memory_space<vmem>>, vector<16xi32>,
    %swap3A_242 = arith.constant 1632 : index
    %swap3A_243 = tpu.vector_load %arg6[%swap3A_242] {strides = array<i32>} : memref<2048xi32, #tpu.memory_space<vmem>>, vector<16xi32>,
    tpu.vector_store %arg6[%swap3A_242], %broadcast_in_dim3A_38 {strides = array<i32>} : memref<2048xi32, #tpu.memory_space<vmem>>, vector<16xi32>,
    %swap3A_244 = arith.constant 1648 : index
    %swap3A_245 = tpu.vector_load %arg6[%swap3A_244] {strides = array<i32>} : memref<2048xi32, #tpu.memory_space<vmem>>, vector<16xi32>,
    tpu.vector_store %arg6[%swap3A_244], %broadcast_in_dim3A_38 {strides = array<i32>} : memref<2048xi32, #tpu.memory_space<vmem>>, vector<16xi32>,
    %swap3A_246 = arith.constant 1664 : index
    %swap3A_247 = tpu.vector_load %arg6[%swap3A_246] {strides = array<i32>} : memref<2048xi32, #tpu.memory_space<vmem>>, vector<16xi32>,
    tpu.vector_store %arg6[%swap3A_246], %broadcast_in_dim3A_38 {strides = array<i32>} : memref<2048xi32, #tpu.memory_space<vmem>>, vector<16xi32>,
    %swap3A_248 = arith.constant 1680 : index
    %swap3A_249 = tpu.vector_load %arg6[%swap3A_248] {strides = array<i32>} : memref<2048xi32, #tpu.memory_space<vmem>>, vector<16xi32>,
    tpu.vector_store %arg6[%swap3A_248], %broadcast_in_dim3A_38 {strides = array<i32>} : memref<2048xi32, #tpu.memory_space<vmem>>, vector<16xi32>,
    %swap3A_250 = arith.constant 1696 : index
    %swap3A_251 = tpu.vector_load %arg6[%swap3A_250] {strides = array<i32>} : memref<2048xi32, #tpu.memory_space<vmem>>, vector<16xi32>,
    tpu.vector_store %arg6[%swap3A_250], %broadcast_in_dim3A_38 {strides = array<i32>} : memref<2048xi32, #tpu.memory_space<vmem>>, vector<16xi32>,
    %swap3A_252 = arith.constant 1712 : index
    %swap3A_253 = tpu.vector_load %arg6[%swap3A_252] {strides = array<i32>} : memref<2048xi32, #tpu.memory_space<vmem>>, vector<16xi32>,
    tpu.vector_store %arg6[%swap3A_252], %broadcast_in_dim3A_38 {strides = array<i32>} : memref<2048xi32, #tpu.memory_space<vmem>>, vector<16xi32>,
    %swap3A_254 = arith.constant 1728 : index
    %swap3A_255 = tpu.vector_load %arg6[%swap3A_254] {strides = array<i32>} : memref<2048xi32, #tpu.memory_space<vmem>>, vector<16xi32>,
    tpu.vector_store %arg6[%swap3A_254], %broadcast_in_dim3A_38 {strides = array<i32>} : memref<2048xi32, #tpu.memory_space<vmem>>, vector<16xi32>,
    %swap3A_256 = arith.constant 1744 : index
    %swap3A_257 = tpu.vector_load %arg6[%swap3A_256] {strides = array<i32>} : memref<2048xi32, #tpu.memory_space<vmem>>, vector<16xi32>,
    tpu.vector_store %arg6[%swap3A_256], %broadcast_in_dim3A_38 {strides = array<i32>} : memref<2048xi32, #tpu.memory_space<vmem>>, vector<16xi32>,
    %swap3A_258 = arith.constant 1760 : index
    %swap3A_259 = tpu.vector_load %arg6[%swap3A_258] {strides = array<i32>} : memref<2048xi32, #tpu.memory_space<vmem>>, vector<16xi32>,
    tpu.vector_store %arg6[%swap3A_258], %broadcast_in_dim3A_38 {strides = array<i32>} : memref<2048xi32, #tpu.memory_space<vmem>>, vector<16xi32>,
    %swap3A_260 = arith.constant 1776 : index
    %swap3A_261 = tpu.vector_load %arg6[%swap3A_260] {strides = array<i32>} : memref<2048xi32, #tpu.memory_space<vmem>>, vector<16xi32>,
    tpu.vector_store %arg6[%swap3A_260], %broadcast_in_dim3A_38 {strides = array<i32>} : memref<2048xi32, #tpu.memory_space<vmem>>, vector<16xi32>,
    %swap3A_262 = arith.constant 1792 : index
    %swap3A_263 = tpu.vector_load %arg6[%swap3A_262] {strides = array<i32>} : memref<2048xi32, #tpu.memory_space<vmem>>, vector<16xi32>,
    tpu.vector_store %arg6[%swap3A_262], %broadcast_in_dim3A_38 {strides = array<i32>} : memref<2048xi32, #tpu.memory_space<vmem>>, vector<16xi32>,
    %swap3A_264 = arith.constant 1808 : index
    %swap3A_265 = tpu.vector_load %arg6[%swap3A_264] {strides = array<i32>} : memref<2048xi32, #tpu.memory_space<vmem>>, vector<16xi32>,
    tpu.vector_store %arg6[%swap3A_264], %broadcast_in_dim3A_38 {strides = array<i32>} : memref<2048xi32, #tpu.memory_space<vmem>>, vector<16xi32>,
    %swap3A_266 = arith.constant 1824 : index
    %swap3A_267 = tpu.vector_load %arg6[%swap3A_266] {strides = array<i32>} : memref<2048xi32, #tpu.memory_space<vmem>>, vector<16xi32>,
    tpu.vector_store %arg6[%swap3A_266], %broadcast_in_dim3A_38 {strides = array<i32>} : memref<2048xi32, #tpu.memory_space<vmem>>, vector<16xi32>,
    %swap3A_268 = arith.constant 1840 : index
    %swap3A_269 = tpu.vector_load %arg6[%swap3A_268] {strides = array<i32>} : memref<2048xi32, #tpu.memory_space<vmem>>, vector<16xi32>,
    tpu.vector_store %arg6[%swap3A_268], %broadcast_in_dim3A_38 {strides = array<i32>} : memref<2048xi32, #tpu.memory_space<vmem>>, vector<16xi32>,
    %swap3A_270 = arith.constant 1856 : index
    %swap3A_271 = tpu.vector_load %arg6[%swap3A_270] {strides = array<i32>} : memref<2048xi32, #tpu.memory_space<vmem>>, vector<16xi32>,
    tpu.vector_store %arg6[%swap3A_270], %broadcast_in_dim3A_38 {strides = array<i32>} : memref<2048xi32, #tpu.memory_space<vmem>>, vector<16xi32>,
    %swap3A_272 = arith.constant 1872 : index
    %swap3A_273 = tpu.vector_load %arg6[%swap3A_272] {strides = array<i32>} : memref<2048xi32, #tpu.memory_space<vmem>>, vector<16xi32>,
    tpu.vector_store %arg6[%swap3A_272], %broadcast_in_dim3A_38 {strides = array<i32>} : memref<2048xi32, #tpu.memory_space<vmem>>, vector<16xi32>,
    %swap3A_274 = arith.constant 1888 : index
    %swap3A_275 = tpu.vector_load %arg6[%swap3A_274] {strides = array<i32>} : memref<2048xi32, #tpu.memory_space<vmem>>, vector<16xi32>,
    tpu.vector_store %arg6[%swap3A_274], %broadcast_in_dim3A_38 {strides = array<i32>} : memref<2048xi32, #tpu.memory_space<vmem>>, vector<16xi32>,
    %swap3A_276 = arith.constant 1904 : index
    %swap3A_277 = tpu.vector_load %arg6[%swap3A_276] {strides = array<i32>} : memref<2048xi32, #tpu.memory_space<vmem>>, vector<16xi32>,
    tpu.vector_store %arg6[%swap3A_276], %broadcast_in_dim3A_38 {strides = array<i32>} : memref<2048xi32, #tpu.memory_space<vmem>>, vector<16xi32>,
    %swap3A_278 = arith.constant 1920 : index
    %swap3A_279 = tpu.vector_load %arg6[%swap3A_278] {strides = array<i32>} : memref<2048xi32, #tpu.memory_space<vmem>>, vector<16xi32>,
    tpu.vector_store %arg6[%swap3A_278], %broadcast_in_dim3A_38 {strides = array<i32>} : memref<2048xi32, #tpu.memory_space<vmem>>, vector<16xi32>,
    %swap3A_280 = arith.constant 1936 : index
    %swap3A_281 = tpu.vector_load %arg6[%swap3A_280] {strides = array<i32>} : memref<2048xi32, #tpu.memory_space<vmem>>, vector<16xi32>,
    tpu.vector_store %arg6[%swap3A_280], %broadcast_in_dim3A_38 {strides = array<i32>} : memref<2048xi32, #tpu.memory_space<vmem>>, vector<16xi32>,
    %swap3A_282 = arith.constant 1952 : index
    %swap3A_283 = tpu.vector_load %arg6[%swap3A_282] {strides = array<i32>} : memref<2048xi32, #tpu.memory_space<vmem>>, vector<16xi32>,
    tpu.vector_store %arg6[%swap3A_282], %broadcast_in_dim3A_38 {strides = array<i32>} : memref<2048xi32, #tpu.memory_space<vmem>>, vector<16xi32>,
    %swap3A_284 = arith.constant 1968 : index
    %swap3A_285 = tpu.vector_load %arg6[%swap3A_284] {strides = array<i32>} : memref<2048xi32, #tpu.memory_space<vmem>>, vector<16xi32>,
    tpu.vector_store %arg6[%swap3A_284], %broadcast_in_dim3A_38 {strides = array<i32>} : memref<2048xi32, #tpu.memory_space<vmem>>, vector<16xi32>,
    %swap3A_286 = arith.constant 1984 : index
    %swap3A_287 = tpu.vector_load %arg6[%swap3A_286] {strides = array<i32>} : memref<2048xi32, #tpu.memory_space<vmem>>, vector<16xi32>,
    tpu.vector_store %arg6[%swap3A_286], %broadcast_in_dim3A_38 {strides = array<i32>} : memref<2048xi32, #tpu.memory_space<vmem>>, vector<16xi32>,
    %swap3A_288 = arith.constant 2000 : index
    %swap3A_289 = tpu.vector_load %arg6[%swap3A_288] {strides = array<i32>} : memref<2048xi32, #tpu.memory_space<vmem>>, vector<16xi32>,
    tpu.vector_store %arg6[%swap3A_288], %broadcast_in_dim3A_38 {strides = array<i32>} : memref<2048xi32, #tpu.memory_space<vmem>>, vector<16xi32>,
    %swap3A_290 = arith.constant 2016 : index
    %swap3A_291 = tpu.vector_load %arg6[%swap3A_290] {strides = array<i32>} : memref<2048xi32, #tpu.memory_space<vmem>>, vector<16xi32>,
    tpu.vector_store %arg6[%swap3A_290], %broadcast_in_dim3A_38 {strides = array<i32>} : memref<2048xi32, #tpu.memory_space<vmem>>, vector<16xi32>,
    %swap3A_292 = arith.constant 2032 : index
    %swap3A_293 = tpu.vector_load %arg6[%swap3A_292] {strides = array<i32>} : memref<2048xi32, #tpu.memory_space<vmem>>, vector<16xi32>,
    tpu.vector_store %arg6[%swap3A_292], %broadcast_in_dim3A_38 {strides = array<i32>} : memref<2048xi32, #tpu.memory_space<vmem>>, vector<16xi32>,
    %dma_wait3A = arith.constant 0 : i32
    %dma_wait3A_294 = tpu.memref_slice %arg3[%dma_wait3A, %add3A, %mul3A_32] : memref<20x16x2048xi32, #tpu.memory_space<hbm>> -> memref<20x1x1024xi32, #tpu.memory_space<hbm>>
    %dma_wait3A_295 = tpu.memref_squeeze %dma_wait3A_294 : memref<20x1x1024xi32, #tpu.memory_space<hbm>> -> memref<20x1024xi32, #tpu.memory_space<hbm>>
    %dma_wait3A_296 = arith.constant 0 : i32
    %dma_wait3A_297 = tpu.memref_slice %arg3[%dma_wait3A_296, %add3A, %mul3A_32] : memref<20x16x2048xi32, #tpu.memory_space<hbm>> -> memref<20x1x1024xi32, #tpu.memory_space<hbm>>
    %dma_wait3A_298 = tpu.memref_squeeze %dma_wait3A_297 : memref<20x1x1024xi32, #tpu.memory_space<hbm>> -> memref<20x1024xi32, #tpu.memory_space<hbm>>
    tpu.wait_dma2 semaphore(%arg13 : memref<!tpu.dma_semaphore, #tpu.memory_space<semaphore_mem>>) src(%dma_wait3A_298 : memref<20x1024xi32, #tpu.memory_space<hbm>>) dst(%arg5 : memref<20x1024xi32, #tpu.memory_space<vmem>>)
    %mul3A_299 = arith.constant 1024 : i32
    %mul3A_300 = arith.muli %select_n3A_30, %mul3A_299 : i32
    %scan3A = arith.constant 0 : i32
    %scan3A_301 = arith.constant 0 : i32
    %scan3A_302 = arith.constant 320 : i32
    %scan3A_303 = arith.addi %scan3A_301, %scan3A_302 : i32
    %scan3A_304 = arith.constant 1 : i32
    scf.for %scan3A_393 = %scan3A_301 to %scan3A_303 step %scan3A_304  : i32 {
      %mul3A_394 = arith.constant 4 : i32
      %mul3A_395 = arith.muli %scan3A_393, %mul3A_394 : i32
      %add3A_396 = arith.constant 0 : i32
      %add3A_397 = arith.addi %mul3A_395, %add3A_396 : i32
      %shift_right_arithmetic3A = arith.constant 6 : i32
      %shift_right_arithmetic3A_398 = arith.shrsi %add3A_397, %shift_right_arithmetic3A : i32
      %and3A_399 = arith.constant 63 : i32
      %and3A_400 = arith.andi %add3A_397, %and3A_399 : i32
      %mul3A_401 = arith.constant 16 : i32
      %mul3A_402 = arith.muli %and3A_400, %mul3A_401 : i32
      %get3A = arith.index_cast %shift_right_arithmetic3A_398 : i32 to index
      %get3A_403 = arith.index_cast %mul3A_402 : i32 to index
      %get3A_404 = tpu.vector_load %arg5[%get3A, %get3A_403] {strides = array<i32>} : memref<20x1024xi32, #tpu.memory_space<vmem>>, vector<16xi32>,
      %mul3A_405 = arith.constant 16 : i32
      %mul3A_406 = arith.muli %add3A_397, %mul3A_405 : i32
      %shift_right_arithmetic3A_407 = arith.constant 6 : i32
      %shift_right_arithmetic3A_408 = arith.shrsi %add3A_397, %shift_right_arithmetic3A_407 : i32
      %mul3A_409 = arith.constant 1024 : i32
      %mul3A_410 = arith.muli %shift_right_arithmetic3A_408, %mul3A_409 : i32
      %add3A_411 = arith.addi %mul3A_406, %mul3A_410 : i32
      %add3A_412 = arith.addi %add3A_411, %mul3A_300 : i32
      %add3A_413 = vector.broadcast %add3A_412 : i32 to vector<16xi32>
      %add3A_414 = arith.addi %add3A_413, %iota3A : vector<16xi32>
      tpu.vector_store_idx %arg6[%get3A_404], %add3A_414 : memref<2048xi32, #tpu.memory_space<vmem>>[vector<16xi32>], vector<16xi32>,
      %mul3A_415 = arith.constant 4 : i32
      %mul3A_416 = arith.muli %scan3A_393, %mul3A_415 : i32
      %add3A_417 = arith.constant 1 : i32
      %add3A_418 = arith.addi %mul3A_416, %add3A_417 : i32
      %shift_right_arithmetic3A_419 = arith.constant 6 : i32
      %shift_right_arithmetic3A_420 = arith.shrsi %add3A_418, %shift_right_arithmetic3A_419 : i32
      %and3A_421 = arith.constant 63 : i32
      %and3A_422 = arith.andi %add3A_418, %and3A_421 : i32
      %mul3A_423 = arith.constant 16 : i32
      %mul3A_424 = arith.muli %and3A_422, %mul3A_423 : i32
      %get3A_425 = arith.index_cast %shift_right_arithmetic3A_420 : i32 to index
      %get3A_426 = arith.index_cast %mul3A_424 : i32 to index
      %get3A_427 = tpu.vector_load %arg5[%get3A_425, %get3A_426] {strides = array<i32>} : memref<20x1024xi32, #tpu.memory_space<vmem>>, vector<16xi32>,
      %mul3A_428 = arith.constant 16 : i32
      %mul3A_429 = arith.muli %add3A_418, %mul3A_428 : i32
      %shift_right_arithmetic3A_430 = arith.constant 6 : i32
      %shift_right_arithmetic3A_431 = arith.shrsi %add3A_418, %shift_right_arithmetic3A_430 : i32
      %mul3A_432 = arith.constant 1024 : i32
      %mul3A_433 = arith.muli %shift_right_arithmetic3A_431, %mul3A_432 : i32
      %add3A_434 = arith.addi %mul3A_429, %mul3A_433 : i32
      %add3A_435 = arith.addi %add3A_434, %mul3A_300 : i32
      %add3A_436 = vector.broadcast %add3A_435 : i32 to vector<16xi32>
      %add3A_437 = arith.addi %add3A_436, %iota3A : vector<16xi32>
      tpu.vector_store_idx %arg6[%get3A_427], %add3A_437 : memref<2048xi32, #tpu.memory_space<vmem>>[vector<16xi32>], vector<16xi32>,
      %mul3A_438 = arith.constant 4 : i32
      %mul3A_439 = arith.muli %scan3A_393, %mul3A_438 : i32
      %add3A_440 = arith.constant 2 : i32
      %add3A_441 = arith.addi %mul3A_439, %add3A_440 : i32
      %shift_right_arithmetic3A_442 = arith.constant 6 : i32
      %shift_right_arithmetic3A_443 = arith.shrsi %add3A_441, %shift_right_arithmetic3A_442 : i32
      %and3A_444 = arith.constant 63 : i32
      %and3A_445 = arith.andi %add3A_441, %and3A_444 : i32
      %mul3A_446 = arith.constant 16 : i32
      %mul3A_447 = arith.muli %and3A_445, %mul3A_446 : i32
      %get3A_448 = arith.index_cast %shift_right_arithmetic3A_443 : i32 to index
      %get3A_449 = arith.index_cast %mul3A_447 : i32 to index
      %get3A_450 = tpu.vector_load %arg5[%get3A_448, %get3A_449] {strides = array<i32>} : memref<20x1024xi32, #tpu.memory_space<vmem>>, vector<16xi32>,
      %mul3A_451 = arith.constant 16 : i32
      %mul3A_452 = arith.muli %add3A_441, %mul3A_451 : i32
      %shift_right_arithmetic3A_453 = arith.constant 6 : i32
      %shift_right_arithmetic3A_454 = arith.shrsi %add3A_441, %shift_right_arithmetic3A_453 : i32
      %mul3A_455 = arith.constant 1024 : i32
      %mul3A_456 = arith.muli %shift_right_arithmetic3A_454, %mul3A_455 : i32
      %add3A_457 = arith.addi %mul3A_452, %mul3A_456 : i32
      %add3A_458 = arith.addi %add3A_457, %mul3A_300 : i32
      %add3A_459 = vector.broadcast %add3A_458 : i32 to vector<16xi32>
      %add3A_460 = arith.addi %add3A_459, %iota3A : vector<16xi32>
      tpu.vector_store_idx %arg6[%get3A_450], %add3A_460 : memref<2048xi32, #tpu.memory_space<vmem>>[vector<16xi32>], vector<16xi32>,
      %mul3A_461 = arith.constant 4 : i32
      %mul3A_462 = arith.muli %scan3A_393, %mul3A_461 : i32
      %add3A_463 = arith.constant 3 : i32
      %add3A_464 = arith.addi %mul3A_462, %add3A_463 : i32
      %shift_right_arithmetic3A_465 = arith.constant 6 : i32
      %shift_right_arithmetic3A_466 = arith.shrsi %add3A_464, %shift_right_arithmetic3A_465 : i32
      %and3A_467 = arith.constant 63 : i32
      %and3A_468 = arith.andi %add3A_464, %and3A_467 : i32
      %mul3A_469 = arith.constant 16 : i32
      %mul3A_470 = arith.muli %and3A_468, %mul3A_469 : i32
      %get3A_471 = arith.index_cast %shift_right_arithmetic3A_466 : i32 to index
      %get3A_472 = arith.index_cast %mul3A_470 : i32 to index
      %get3A_473 = tpu.vector_load %arg5[%get3A_471, %get3A_472] {strides = array<i32>} : memref<20x1024xi32, #tpu.memory_space<vmem>>, vector<16xi32>,
      %mul3A_474 = arith.constant 16 : i32
      %mul3A_475 = arith.muli %add3A_464, %mul3A_474 : i32
      %shift_right_arithmetic3A_476 = arith.constant 6 : i32
      %shift_right_arithmetic3A_477 = arith.shrsi %add3A_464, %shift_right_arithmetic3A_476 : i32
      %mul3A_478 = arith.constant 1024 : i32
      %mul3A_479 = arith.muli %shift_right_arithmetic3A_477, %mul3A_478 : i32
      %add3A_480 = arith.addi %mul3A_475, %mul3A_479 : i32
      %add3A_481 = arith.addi %add3A_480, %mul3A_300 : i32
      %add3A_482 = vector.broadcast %add3A_481 : i32 to vector<16xi32>
      %add3A_483 = arith.addi %add3A_482, %iota3A : vector<16xi32>
      tpu.vector_store_idx %arg6[%get3A_473], %add3A_483 : memref<2048xi32, #tpu.memory_space<vmem>>[vector<16xi32>], vector<16xi32>,
    }
    %scan3A_305 = arith.constant 320 : i32
    "tpu.region"() ({
      %run_scoped3A = tpu.sem_alloc : memref<!tpu.dma_semaphore, #tpu.memory_space<semaphore_mem>>
      %dma_start3A_393 = arith.constant 0 : i32
      %dma_start3A_394 = tpu.memref_slice %arg12[%arg1, %dma_start3A_393] : memref<16x2048xi32, #tpu.memory_space<vmem_shared>> -> memref<1x2048xi32, #tpu.memory_space<vmem_shared>>
      %dma_start3A_395 = tpu.memref_squeeze %dma_start3A_394 : memref<1x2048xi32, #tpu.memory_space<vmem_shared>> -> memref<2048xi32, #tpu.memory_space<vmem_shared>>
      %dma_start3A_396 = arith.constant 0 : i32
      %dma_start3A_397 = tpu.memref_slice %arg12[%arg1, %dma_start3A_396] : memref<16x2048xi32, #tpu.memory_space<vmem_shared>> -> memref<1x2048xi32, #tpu.memory_space<vmem_shared>>
      %dma_start3A_398 = tpu.memref_squeeze %dma_start3A_397 : memref<1x2048xi32, #tpu.memory_space<vmem_shared>> -> memref<2048xi32, #tpu.memory_space<vmem_shared>>
      tpu.enqueue_dma source(%arg6 : memref<2048xi32, #tpu.memory_space<vmem>>) target(%dma_start3A_398 : memref<2048xi32, #tpu.memory_space<vmem_shared>>) target_semaphore(%run_scoped3A : memref<!tpu.dma_semaphore, #tpu.memory_space<semaphore_mem>>)
      %dma_wait3A_399 = arith.constant 0 : i32
      %dma_wait3A_400 = tpu.memref_slice %arg12[%arg1, %dma_wait3A_399] : memref<16x2048xi32, #tpu.memory_space<vmem_shared>> -> memref<1x2048xi32, #tpu.memory_space<vmem_shared>>
      %dma_wait3A_401 = tpu.memref_squeeze %dma_wait3A_400 : memref<1x2048xi32, #tpu.memory_space<vmem_shared>> -> memref<2048xi32, #tpu.memory_space<vmem_shared>>
      %dma_wait3A_402 = arith.constant 0 : i32
      %dma_wait3A_403 = tpu.memref_slice %arg12[%arg1, %dma_wait3A_402] : memref<16x2048xi32, #tpu.memory_space<vmem_shared>> -> memref<1x2048xi32, #tpu.memory_space<vmem_shared>>
      %dma_wait3A_404 = tpu.memref_squeeze %dma_wait3A_403 : memref<1x2048xi32, #tpu.memory_space<vmem_shared>> -> memref<2048xi32, #tpu.memory_space<vmem_shared>>
      tpu.wait_dma2 semaphore(%run_scoped3A : memref<!tpu.dma_semaphore, #tpu.memory_space<semaphore_mem>>) src(%arg6 : memref<2048xi32, #tpu.memory_space<vmem>>) dst(%dma_wait3A_404 : memref<2048xi32, #tpu.memory_space<vmem_shared>>)
      tpu.yield
    }) : () -> ()
    %barrier3A = arith.constant 0 : index
    tpu.barrier barrier_id(%barrier3A)
    %jit3A_306 = arith.constant 2 : i32
    %div3A_307 = arith.divsi %arg1, %jit3A_306 : i32
    %sign3A_308 = arith.constant 0 : i32
    %sign3A_309 = arith.cmpi sgt, %arg1, %sign3A_308 : i32
    %sign3A_310 = arith.extui %sign3A_309 : i1 to i32
    %sign3A_311 = arith.constant 0 : i32
    %sign3A_312 = arith.cmpi slt, %arg1, %sign3A_311 : i32
    %sign3A_313 = arith.extui %sign3A_312 : i1 to i32
    %sign3A_314 = arith.subi %sign3A_310, %sign3A_313 : i32
    %sign3A_315 = arith.constant 0 : i32
    %sign3A_316 = arith.cmpi sgt, %jit3A_306, %sign3A_315 : i32
    %sign3A_317 = arith.extui %sign3A_316 : i1 to i32
    %sign3A_318 = arith.constant 0 : i32
    %sign3A_319 = arith.cmpi slt, %jit3A_306, %sign3A_318 : i32
    %sign3A_320 = arith.extui %sign3A_319 : i1 to i32
    %sign3A_321 = arith.subi %sign3A_317, %sign3A_320 : i32
    %ne3A_322 = arith.cmpi ne, %sign3A_314, %sign3A_321 : i32
    %rem3A_323 = arith.remsi %arg1, %jit3A_306 : i32
    %ne3A_324 = arith.constant 0 : i32
    %ne3A_325 = arith.cmpi ne, %rem3A_323, %ne3A_324 : i32
    %and3A_326 = arith.andi %ne3A_322, %ne3A_325 : i1
    %sub3A_327 = arith.constant 1 : i32
    %sub3A_328 = arith.subi %div3A_307, %sub3A_327 : i32
    %select_n3A_329 = arith.select %and3A_326, %sub3A_328, %div3A_307 : i32
    %mul3A_330 = arith.constant 2 : i32
    %mul3A_331 = arith.muli %select_n3A_329, %mul3A_330 : i32
    "tpu.region"() ({
      %run_scoped3A = tpu.sem_alloc : memref<!tpu.dma_semaphore, #tpu.memory_space<semaphore_mem>>
      %dma_start3A_393 = arith.constant 0 : i32
      %dma_start3A_394 = tpu.memref_slice %arg12[%mul3A_331, %dma_start3A_393] : memref<16x2048xi32, #tpu.memory_space<vmem_shared>> -> memref<1x2048xi32, #tpu.memory_space<vmem_shared>>
      %dma_start3A_395 = tpu.memref_squeeze %dma_start3A_394 : memref<1x2048xi32, #tpu.memory_space<vmem_shared>> -> memref<2048xi32, #tpu.memory_space<vmem_shared>>
      %dma_start3A_396 = arith.constant 0 : i32
      %dma_start3A_397 = tpu.memref_slice %arg12[%mul3A_331, %dma_start3A_396] : memref<16x2048xi32, #tpu.memory_space<vmem_shared>> -> memref<1x2048xi32, #tpu.memory_space<vmem_shared>>
      %dma_start3A_398 = tpu.memref_squeeze %dma_start3A_397 : memref<1x2048xi32, #tpu.memory_space<vmem_shared>> -> memref<2048xi32, #tpu.memory_space<vmem_shared>>
      tpu.enqueue_dma source(%dma_start3A_398 : memref<2048xi32, #tpu.memory_space<vmem_shared>>) target(%arg7 : memref<2048xi32, #tpu.memory_space<vmem>>) target_semaphore(%run_scoped3A : memref<!tpu.dma_semaphore, #tpu.memory_space<semaphore_mem>>)
      %dma_wait3A_399 = arith.constant 0 : i32
      %dma_wait3A_400 = tpu.memref_slice %arg12[%mul3A_331, %dma_wait3A_399] : memref<16x2048xi32, #tpu.memory_space<vmem_shared>> -> memref<1x2048xi32, #tpu.memory_space<vmem_shared>>
      %dma_wait3A_401 = tpu.memref_squeeze %dma_wait3A_400 : memref<1x2048xi32, #tpu.memory_space<vmem_shared>> -> memref<2048xi32, #tpu.memory_space<vmem_shared>>
      %dma_wait3A_402 = arith.constant 0 : i32
      %dma_wait3A_403 = tpu.memref_slice %arg12[%mul3A_331, %dma_wait3A_402] : memref<16x2048xi32, #tpu.memory_space<vmem_shared>> -> memref<1x2048xi32, #tpu.memory_space<vmem_shared>>
      %dma_wait3A_404 = tpu.memref_squeeze %dma_wait3A_403 : memref<1x2048xi32, #tpu.memory_space<vmem_shared>> -> memref<2048xi32, #tpu.memory_space<vmem_shared>>
      tpu.wait_dma2 semaphore(%run_scoped3A : memref<!tpu.dma_semaphore, #tpu.memory_space<semaphore_mem>>) src(%dma_wait3A_404 : memref<2048xi32, #tpu.memory_space<vmem_shared>>) dst(%arg7 : memref<2048xi32, #tpu.memory_space<vmem>>)
      tpu.yield
    }) : () -> ()
    %jit3A_332 = arith.constant 2 : i32
    %div3A_333 = arith.divsi %arg1, %jit3A_332 : i32
    %sign3A_334 = arith.constant 0 : i32
    %sign3A_335 = arith.cmpi sgt, %arg1, %sign3A_334 : i32
    %sign3A_336 = arith.extui %sign3A_335 : i1 to i32
    %sign3A_337 = arith.constant 0 : i32
    %sign3A_338 = arith.cmpi slt, %arg1, %sign3A_337 : i32
    %sign3A_339 = arith.extui %sign3A_338 : i1 to i32
    %sign3A_340 = arith.subi %sign3A_336, %sign3A_339 : i32
    %sign3A_341 = arith.constant 0 : i32
    %sign3A_342 = arith.cmpi sgt, %jit3A_332, %sign3A_341 : i32
    %sign3A_343 = arith.extui %sign3A_342 : i1 to i32
    %sign3A_344 = arith.constant 0 : i32
    %sign3A_345 = arith.cmpi slt, %jit3A_332, %sign3A_344 : i32
    %sign3A_346 = arith.extui %sign3A_345 : i1 to i32
    %sign3A_347 = arith.subi %sign3A_343, %sign3A_346 : i32
    %ne3A_348 = arith.cmpi ne, %sign3A_340, %sign3A_347 : i32
    %rem3A_349 = arith.remsi %arg1, %jit3A_332 : i32
    %ne3A_350 = arith.constant 0 : i32
    %ne3A_351 = arith.cmpi ne, %rem3A_349, %ne3A_350 : i32
    %and3A_352 = arith.andi %ne3A_348, %ne3A_351 : i1
    %sub3A_353 = arith.constant 1 : i32
    %sub3A_354 = arith.subi %div3A_333, %sub3A_353 : i32
    %select_n3A_355 = arith.select %and3A_352, %sub3A_354, %div3A_333 : i32
    %mul3A_356 = arith.constant 2 : i32
    %mul3A_357 = arith.muli %select_n3A_355, %mul3A_356 : i32
    %add3A_358 = arith.constant 1 : i32
    %add3A_359 = arith.addi %mul3A_357, %add3A_358 : i32
    "tpu.region"() ({
      %run_scoped3A = tpu.sem_alloc : memref<!tpu.dma_semaphore, #tpu.memory_space<semaphore_mem>>
      %dma_start3A_393 = arith.constant 0 : i32
      %dma_start3A_394 = tpu.memref_slice %arg12[%add3A_359, %dma_start3A_393] : memref<16x2048xi32, #tpu.memory_space<vmem_shared>> -> memref<1x2048xi32, #tpu.memory_space<vmem_shared>>
      %dma_start3A_395 = tpu.memref_squeeze %dma_start3A_394 : memref<1x2048xi32, #tpu.memory_space<vmem_shared>> -> memref<2048xi32, #tpu.memory_space<vmem_shared>>
      %dma_start3A_396 = arith.constant 0 : i32
      %dma_start3A_397 = tpu.memref_slice %arg12[%add3A_359, %dma_start3A_396] : memref<16x2048xi32, #tpu.memory_space<vmem_shared>> -> memref<1x2048xi32, #tpu.memory_space<vmem_shared>>
      %dma_start3A_398 = tpu.memref_squeeze %dma_start3A_397 : memref<1x2048xi32, #tpu.memory_space<vmem_shared>> -> memref<2048xi32, #tpu.memory_space<vmem_shared>>
      tpu.enqueue_dma source(%dma_start3A_398 : memref<2048xi32, #tpu.memory_space<vmem_shared>>) target(%arg8 : memref<2048xi32, #tpu.memory_space<vmem>>) target_semaphore(%run_scoped3A : memref<!tpu.dma_semaphore, #tpu.memory_space<semaphore_mem>>)
      %dma_wait3A_399 = arith.constant 0 : i32
      %dma_wait3A_400 = tpu.memref_slice %arg12[%add3A_359, %dma_wait3A_399] : memref<16x2048xi32, #tpu.memory_space<vmem_shared>> -> memref<1x2048xi32, #tpu.memory_space<vmem_shared>>
      %dma_wait3A_401 = tpu.memref_squeeze %dma_wait3A_400 : memref<1x2048xi32, #tpu.memory_space<vmem_shared>> -> memref<2048xi32, #tpu.memory_space<vmem_shared>>
      %dma_wait3A_402 = arith.constant 0 : i32
      %dma_wait3A_403 = tpu.memref_slice %arg12[%add3A_359, %dma_wait3A_402] : memref<16x2048xi32, #tpu.memory_space<vmem_shared>> -> memref<1x2048xi32, #tpu.memory_space<vmem_shared>>
      %dma_wait3A_404 = tpu.memref_squeeze %dma_wait3A_403 : memref<1x2048xi32, #tpu.memory_space<vmem_shared>> -> memref<2048xi32, #tpu.memory_space<vmem_shared>>
      tpu.wait_dma2 semaphore(%run_scoped3A : memref<!tpu.dma_semaphore, #tpu.memory_space<semaphore_mem>>) src(%dma_wait3A_404 : memref<2048xi32, #tpu.memory_space<vmem_shared>>) dst(%arg8 : memref<2048xi32, #tpu.memory_space<vmem>>)
      tpu.yield
    }) : () -> ()
    %mul3A_360 = arith.constant 1310720 : i32
    %mul3A_361 = arith.muli %add3A, %mul3A_360 : i32
    %scan3A_362 = arith.constant 0 : i32
    %scan3A_363 = arith.constant 0 : i32
    %scan3A_364 = arith.constant 128 : i32
    %scan3A_365 = arith.addi %scan3A_363, %scan3A_364 : i32
    %scan3A_366 = arith.constant 1 : i32
    %scan3A_367 = scf.for %scan3A_393 = %scan3A_363 to %scan3A_365 step %scan3A_366 iter_args(%scan3A_394 = %scan3A_362) -> (i32)  : i32 {
      %mul3A_395 = arith.constant 16 : i32
      %mul3A_396 = arith.muli %scan3A_393, %mul3A_395 : i32
      %get3A = arith.index_cast %mul3A_396 : i32 to index
      %get3A_397 = tpu.vector_load %arg7[%get3A] {strides = array<i32>} : memref<2048xi32, #tpu.memory_space<vmem>>, vector<16xi32>,
      %mul3A_398 = arith.constant 16 : i32
      %mul3A_399 = arith.muli %scan3A_393, %mul3A_398 : i32
      %get3A_400 = arith.index_cast %mul3A_399 : i32 to index
      %get3A_401 = tpu.vector_load %arg8[%get3A_400] {strides = array<i32>} : memref<2048xi32, #tpu.memory_space<vmem>>, vector<16xi32>,
      %max3A = arith.maxsi %get3A_397, %get3A_401 : vector<16xi32>
      %max3A_402 = arith.constant 0 : i32
      %max3A_403 = vector.broadcast %max3A_402 : i32 to vector<16xi32>
      %max3A_404 = arith.maxsi %max3A, %max3A_403 : vector<16xi32>
      %and3A_405 = arith.constant 2047 : i32
      %and3A_406 = vector.broadcast %and3A_405 : i32 to vector<16xi32>
      %and3A_407 = arith.andi %max3A_404, %and3A_406 : vector<16xi32>
      %shift_right_arithmetic3A = arith.constant 11 : i32
      %shift_right_arithmetic3A_408 = vector.broadcast %shift_right_arithmetic3A : i32 to vector<16xi32>
      %shift_right_arithmetic3A_409 = arith.shrsi %max3A_404, %shift_right_arithmetic3A_408 : vector<16xi32>
      %mul3A_410 = arith.constant 65536 : i32
      %mul3A_411 = vector.broadcast %mul3A_410 : i32 to vector<16xi32>
      %mul3A_412 = arith.muli %shift_right_arithmetic3A_409, %mul3A_411 : vector<16xi32>
      %add3A_413 = vector.broadcast %mul3A_361 : i32 to vector<16xi32>
      %add3A_414 = arith.addi %add3A_413, %mul3A_412 : vector<16xi32>
      %shift_right_arithmetic3A_415 = arith.constant 7 : i32
      %shift_right_arithmetic3A_416 = vector.broadcast %shift_right_arithmetic3A_415 : i32 to vector<16xi32>
      %shift_right_arithmetic3A_417 = arith.shrsi %and3A_407, %shift_right_arithmetic3A_416 : vector<16xi32>
      %mul3A_418 = arith.constant 1024 : i32
      %mul3A_419 = vector.broadcast %mul3A_418 : i32 to vector<16xi32>
      %mul3A_420 = arith.muli %shift_right_arithmetic3A_417, %mul3A_419 : vector<16xi32>
      %add3A_421 = arith.addi %add3A_414, %mul3A_420 : vector<16xi32>
      %and3A_422 = arith.constant 127 : i32
      %and3A_423 = vector.broadcast %and3A_422 : i32 to vector<16xi32>
      %and3A_424 = arith.andi %and3A_407, %and3A_423 : vector<16xi32>
      %add3A_425 = arith.addi %add3A_421, %and3A_424 : vector<16xi32>
      %lt3A_426 = arith.constant 0 : i32
      %lt3A_427 = vector.broadcast %lt3A_426 : i32 to vector<16xi32>
      %lt3A_428 = arith.cmpi slt, %max3A, %lt3A_427 : vector<16xi32>
      %jit3A_429 = arith.constant 0.000000e+00 : f32
      %jit3A_430 = arith.constant 1.000000e+00 : f32
      %broadcast_in_dim3A_431 = vector.broadcast %jit3A_429 : f32 to vector<16xf32>
      %broadcast_in_dim3A_432 = vector.broadcast %jit3A_430 : f32 to vector<16xf32>
      %select_n3A_433 = arith.select %lt3A_428, %broadcast_in_dim3A_431, %broadcast_in_dim3A_432 : vector<16xi1>, vector<16xf32>
      %mul3A_434 = arith.constant 16 : i32
      %mul3A_435 = arith.muli %scan3A_393, %mul3A_434 : i32
      %swap3A_436 = arith.index_cast %mul3A_435 : i32 to index
      %swap3A_437 = tpu.vector_load %arg9[%swap3A_436] {strides = array<i32>} : memref<2048xf32, #tpu.memory_space<vmem>>, vector<16xf32>,
      tpu.vector_store %arg9[%swap3A_436], %select_n3A_433 {strides = array<i32>} : memref<2048xf32, #tpu.memory_space<vmem>>, vector<16xf32>,
      %shift_right_arithmetic3A_438 = arith.constant 3 : i32
      %shift_right_arithmetic3A_439 = arith.shrsi %scan3A_393, %shift_right_arithmetic3A_438 : i32
      %mul3A_440 = arith.constant 1024 : i32
      %mul3A_441 = arith.muli %shift_right_arithmetic3A_439, %mul3A_440 : i32
      %and3A_442 = arith.constant 7 : i32
      %and3A_443 = arith.andi %scan3A_393, %and3A_442 : i32
      %mul3A_444 = arith.constant 16 : i32
      %mul3A_445 = arith.muli %and3A_443, %mul3A_444 : i32
      %add3A_446 = arith.addi %mul3A_441, %mul3A_445 : i32
      %mul3A_447 = arith.constant 2 : i32
      %mul3A_448 = arith.muli %select_n3A_30, %mul3A_447 : i32
      %add3A_449 = arith.constant 0 : i32
      %add3A_450 = arith.addi %mul3A_448, %add3A_449 : i32
      %mul3A_451 = arith.constant 16384 : i32
      %mul3A_452 = arith.muli %add3A_450, %mul3A_451 : i32
      %add3A_453 = arith.constant 0 : i32
      %add3A_454 = arith.addi %mul3A_452, %add3A_453 : i32
      %add3A_455 = vector.broadcast %add3A_454 : i32 to vector<16xi32>
      %add3A_456 = arith.addi %add3A_425, %add3A_455 : vector<16xi32>
      %add3A_457 = arith.constant 0 : i32
      %add3A_458 = arith.addi %add3A_446, %add3A_457 : i32
      %add3A_459 = arith.constant 0 : i32
      %add3A_460 = arith.addi %add3A_458, %add3A_459 : i32
      %swap3A_461 = arith.index_cast %add3A_460 : i32 to index
      %swap3A_462 = tpu.vector_load %arg10[%swap3A_461] {strides = array<i32>} : memref<32768xi32, #tpu.memory_space<vmem>>, vector<16xi32>,
      tpu.vector_store %arg10[%swap3A_461], %add3A_456 {strides = array<i32>} : memref<32768xi32, #tpu.memory_space<vmem>>, vector<16xi32>,
      %mul3A_463 = arith.constant 2 : i32
      %mul3A_464 = arith.muli %select_n3A_30, %mul3A_463 : i32
      %add3A_465 = arith.constant 0 : i32
      %add3A_466 = arith.addi %mul3A_464, %add3A_465 : i32
      %mul3A_467 = arith.constant 16384 : i32
      %mul3A_468 = arith.muli %add3A_466, %mul3A_467 : i32
      %add3A_469 = arith.constant 128 : i32
      %add3A_470 = arith.addi %mul3A_468, %add3A_469 : i32
      %add3A_471 = vector.broadcast %add3A_470 : i32 to vector<16xi32>
      %add3A_472 = arith.addi %add3A_425, %add3A_471 : vector<16xi32>
      %add3A_473 = arith.constant 0 : i32
      %add3A_474 = arith.addi %add3A_446, %add3A_473 : i32
      %add3A_475 = arith.constant 128 : i32
      %add3A_476 = arith.addi %add3A_474, %add3A_475 : i32
      %swap3A_477 = arith.index_cast %add3A_476 : i32 to index
      %swap3A_478 = tpu.vector_load %arg10[%swap3A_477] {strides = array<i32>} : memref<32768xi32, #tpu.memory_space<vmem>>, vector<16xi32>,
      tpu.vector_store %arg10[%swap3A_477], %add3A_472 {strides = array<i32>} : memref<32768xi32, #tpu.memory_space<vmem>>, vector<16xi32>,
      %mul3A_479 = arith.constant 2 : i32
      %mul3A_480 = arith.muli %select_n3A_30, %mul3A_479 : i32
      %add3A_481 = arith.constant 0 : i32
      %add3A_482 = arith.addi %mul3A_480, %add3A_481 : i32
      %mul3A_483 = arith.constant 16384 : i32
      %mul3A_484 = arith.muli %add3A_482, %mul3A_483 : i32
      %add3A_485 = arith.constant 256 : i32
      %add3A_486 = arith.addi %mul3A_484, %add3A_485 : i32
      %add3A_487 = vector.broadcast %add3A_486 : i32 to vector<16xi32>
      %add3A_488 = arith.addi %add3A_425, %add3A_487 : vector<16xi32>
      %add3A_489 = arith.constant 0 : i32
      %add3A_490 = arith.addi %add3A_446, %add3A_489 : i32
      %add3A_491 = arith.constant 256 : i32
      %add3A_492 = arith.addi %add3A_490, %add3A_491 : i32
      %swap3A_493 = arith.index_cast %add3A_492 : i32 to index
      %swap3A_494 = tpu.vector_load %arg10[%swap3A_493] {strides = array<i32>} : memref<32768xi32, #tpu.memory_space<vmem>>, vector<16xi32>,
      tpu.vector_store %arg10[%swap3A_493], %add3A_488 {strides = array<i32>} : memref<32768xi32, #tpu.memory_space<vmem>>, vector<16xi32>,
      %mul3A_495 = arith.constant 2 : i32
      %mul3A_496 = arith.muli %select_n3A_30, %mul3A_495 : i32
      %add3A_497 = arith.constant 0 : i32
      %add3A_498 = arith.addi %mul3A_496, %add3A_497 : i32
      %mul3A_499 = arith.constant 16384 : i32
      %mul3A_500 = arith.muli %add3A_498, %mul3A_499 : i32
      %add3A_501 = arith.constant 384 : i32
      %add3A_502 = arith.addi %mul3A_500, %add3A_501 : i32
      %add3A_503 = vector.broadcast %add3A_502 : i32 to vector<16xi32>
      %add3A_504 = arith.addi %add3A_425, %add3A_503 : vector<16xi32>
      %add3A_505 = arith.constant 0 : i32
      %add3A_506 = arith.addi %add3A_446, %add3A_505 : i32
      %add3A_507 = arith.constant 384 : i32
      %add3A_508 = arith.addi %add3A_506, %add3A_507 : i32
      %swap3A_509 = arith.index_cast %add3A_508 : i32 to index
      %swap3A_510 = tpu.vector_load %arg10[%swap3A_509] {strides = array<i32>} : memref<32768xi32, #tpu.memory_space<vmem>>, vector<16xi32>,
      tpu.vector_store %arg10[%swap3A_509], %add3A_504 {strides = array<i32>} : memref<32768xi32, #tpu.memory_space<vmem>>, vector<16xi32>,
      %mul3A_511 = arith.constant 2 : i32
      %mul3A_512 = arith.muli %select_n3A_30, %mul3A_511 : i32
      %add3A_513 = arith.constant 0 : i32
      %add3A_514 = arith.addi %mul3A_512, %add3A_513 : i32
      %mul3A_515 = arith.constant 16384 : i32
      %mul3A_516 = arith.muli %add3A_514, %mul3A_515 : i32
      %add3A_517 = arith.constant 512 : i32
      %add3A_518 = arith.addi %mul3A_516, %add3A_517 : i32
      %add3A_519 = vector.broadcast %add3A_518 : i32 to vector<16xi32>
      %add3A_520 = arith.addi %add3A_425, %add3A_519 : vector<16xi32>
      %add3A_521 = arith.constant 0 : i32
      %add3A_522 = arith.addi %add3A_446, %add3A_521 : i32
      %add3A_523 = arith.constant 512 : i32
      %add3A_524 = arith.addi %add3A_522, %add3A_523 : i32
      %swap3A_525 = arith.index_cast %add3A_524 : i32 to index
      %swap3A_526 = tpu.vector_load %arg10[%swap3A_525] {strides = array<i32>} : memref<32768xi32, #tpu.memory_space<vmem>>, vector<16xi32>,
      tpu.vector_store %arg10[%swap3A_525], %add3A_520 {strides = array<i32>} : memref<32768xi32, #tpu.memory_space<vmem>>, vector<16xi32>,
      %mul3A_527 = arith.constant 2 : i32
      %mul3A_528 = arith.muli %select_n3A_30, %mul3A_527 : i32
      %add3A_529 = arith.constant 0 : i32
      %add3A_530 = arith.addi %mul3A_528, %add3A_529 : i32
      %mul3A_531 = arith.constant 16384 : i32
      %mul3A_532 = arith.muli %add3A_530, %mul3A_531 : i32
      %add3A_533 = arith.constant 640 : i32
      %add3A_534 = arith.addi %mul3A_532, %add3A_533 : i32
      %add3A_535 = vector.broadcast %add3A_534 : i32 to vector<16xi32>
      %add3A_536 = arith.addi %add3A_425, %add3A_535 : vector<16xi32>
      %add3A_537 = arith.constant 0 : i32
      %add3A_538 = arith.addi %add3A_446, %add3A_537 : i32
      %add3A_539 = arith.constant 640 : i32
      %add3A_540 = arith.addi %add3A_538, %add3A_539 : i32
      %swap3A_541 = arith.index_cast %add3A_540 : i32 to index
      %swap3A_542 = tpu.vector_load %arg10[%swap3A_541] {strides = array<i32>} : memref<32768xi32, #tpu.memory_space<vmem>>, vector<16xi32>,
      tpu.vector_store %arg10[%swap3A_541], %add3A_536 {strides = array<i32>} : memref<32768xi32, #tpu.memory_space<vmem>>, vector<16xi32>,
      %mul3A_543 = arith.constant 2 : i32
      %mul3A_544 = arith.muli %select_n3A_30, %mul3A_543 : i32
      %add3A_545 = arith.constant 0 : i32
      %add3A_546 = arith.addi %mul3A_544, %add3A_545 : i32
      %mul3A_547 = arith.constant 16384 : i32
      %mul3A_548 = arith.muli %add3A_546, %mul3A_547 : i32
      %add3A_549 = arith.constant 768 : i32
      %add3A_550 = arith.addi %mul3A_548, %add3A_549 : i32
      %add3A_551 = vector.broadcast %add3A_550 : i32 to vector<16xi32>
      %add3A_552 = arith.addi %add3A_425, %add3A_551 : vector<16xi32>
      %add3A_553 = arith.constant 0 : i32
      %add3A_554 = arith.addi %add3A_446, %add3A_553 : i32
      %add3A_555 = arith.constant 768 : i32
      %add3A_556 = arith.addi %add3A_554, %add3A_555 : i32
      %swap3A_557 = arith.index_cast %add3A_556 : i32 to index
      %swap3A_558 = tpu.vector_load %arg10[%swap3A_557] {strides = array<i32>} : memref<32768xi32, #tpu.memory_space<vmem>>, vector<16xi32>,
      tpu.vector_store %arg10[%swap3A_557], %add3A_552 {strides = array<i32>} : memref<32768xi32, #tpu.memory_space<vmem>>, vector<16xi32>,
      %mul3A_559 = arith.constant 2 : i32
      %mul3A_560 = arith.muli %select_n3A_30, %mul3A_559 : i32
      %add3A_561 = arith.constant 0 : i32
      %add3A_562 = arith.addi %mul3A_560, %add3A_561 : i32
      %mul3A_563 = arith.constant 16384 : i32
      %mul3A_564 = arith.muli %add3A_562, %mul3A_563 : i32
      %add3A_565 = arith.constant 896 : i32
      %add3A_566 = arith.addi %mul3A_564, %add3A_565 : i32
      %add3A_567 = vector.broadcast %add3A_566 : i32 to vector<16xi32>
      %add3A_568 = arith.addi %add3A_425, %add3A_567 : vector<16xi32>
      %add3A_569 = arith.constant 0 : i32
      %add3A_570 = arith.addi %add3A_446, %add3A_569 : i32
      %add3A_571 = arith.constant 896 : i32
      %add3A_572 = arith.addi %add3A_570, %add3A_571 : i32
      %swap3A_573 = arith.index_cast %add3A_572 : i32 to index
      %swap3A_574 = tpu.vector_load %arg10[%swap3A_573] {strides = array<i32>} : memref<32768xi32, #tpu.memory_space<vmem>>, vector<16xi32>,
      tpu.vector_store %arg10[%swap3A_573], %add3A_568 {strides = array<i32>} : memref<32768xi32, #tpu.memory_space<vmem>>, vector<16xi32>,
      %mul3A_575 = arith.constant 2 : i32
      %mul3A_576 = arith.muli %select_n3A_30, %mul3A_575 : i32
      %add3A_577 = arith.constant 1 : i32
      %add3A_578 = arith.addi %mul3A_576, %add3A_577 : i32
      %mul3A_579 = arith.constant 16384 : i32
      %mul3A_580 = arith.muli %add3A_578, %mul3A_579 : i32
      %add3A_581 = arith.constant 0 : i32
      %add3A_582 = arith.addi %mul3A_580, %add3A_581 : i32
      %add3A_583 = vector.broadcast %add3A_582 : i32 to vector<16xi32>
      %add3A_584 = arith.addi %add3A_425, %add3A_583 : vector<16xi32>
      %add3A_585 = arith.constant 16384 : i32
      %add3A_586 = arith.addi %add3A_446, %add3A_585 : i32
      %add3A_587 = arith.constant 0 : i32
      %add3A_588 = arith.addi %add3A_586, %add3A_587 : i32
      %swap3A_589 = arith.index_cast %add3A_588 : i32 to index
      %swap3A_590 = tpu.vector_load %arg10[%swap3A_589] {strides = array<i32>} : memref<32768xi32, #tpu.memory_space<vmem>>, vector<16xi32>,
      tpu.vector_store %arg10[%swap3A_589], %add3A_584 {strides = array<i32>} : memref<32768xi32, #tpu.memory_space<vmem>>, vector<16xi32>,
      %mul3A_591 = arith.constant 2 : i32
      %mul3A_592 = arith.muli %select_n3A_30, %mul3A_591 : i32
      %add3A_593 = arith.constant 1 : i32
      %add3A_594 = arith.addi %mul3A_592, %add3A_593 : i32
      %mul3A_595 = arith.constant 16384 : i32
      %mul3A_596 = arith.muli %add3A_594, %mul3A_595 : i32
      %add3A_597 = arith.constant 128 : i32
      %add3A_598 = arith.addi %mul3A_596, %add3A_597 : i32
      %add3A_599 = vector.broadcast %add3A_598 : i32 to vector<16xi32>
      %add3A_600 = arith.addi %add3A_425, %add3A_599 : vector<16xi32>
      %add3A_601 = arith.constant 16384 : i32
      %add3A_602 = arith.addi %add3A_446, %add3A_601 : i32
      %add3A_603 = arith.constant 128 : i32
      %add3A_604 = arith.addi %add3A_602, %add3A_603 : i32
      %swap3A_605 = arith.index_cast %add3A_604 : i32 to index
      %swap3A_606 = tpu.vector_load %arg10[%swap3A_605] {strides = array<i32>} : memref<32768xi32, #tpu.memory_space<vmem>>, vector<16xi32>,
      tpu.vector_store %arg10[%swap3A_605], %add3A_600 {strides = array<i32>} : memref<32768xi32, #tpu.memory_space<vmem>>, vector<16xi32>,
      %mul3A_607 = arith.constant 2 : i32
      %mul3A_608 = arith.muli %select_n3A_30, %mul3A_607 : i32
      %add3A_609 = arith.constant 1 : i32
      %add3A_610 = arith.addi %mul3A_608, %add3A_609 : i32
      %mul3A_611 = arith.constant 16384 : i32
      %mul3A_612 = arith.muli %add3A_610, %mul3A_611 : i32
      %add3A_613 = arith.constant 256 : i32
      %add3A_614 = arith.addi %mul3A_612, %add3A_613 : i32
      %add3A_615 = vector.broadcast %add3A_614 : i32 to vector<16xi32>
      %add3A_616 = arith.addi %add3A_425, %add3A_615 : vector<16xi32>
      %add3A_617 = arith.constant 16384 : i32
      %add3A_618 = arith.addi %add3A_446, %add3A_617 : i32
      %add3A_619 = arith.constant 256 : i32
      %add3A_620 = arith.addi %add3A_618, %add3A_619 : i32
      %swap3A_621 = arith.index_cast %add3A_620 : i32 to index
      %swap3A_622 = tpu.vector_load %arg10[%swap3A_621] {strides = array<i32>} : memref<32768xi32, #tpu.memory_space<vmem>>, vector<16xi32>,
      tpu.vector_store %arg10[%swap3A_621], %add3A_616 {strides = array<i32>} : memref<32768xi32, #tpu.memory_space<vmem>>, vector<16xi32>,
      %mul3A_623 = arith.constant 2 : i32
      %mul3A_624 = arith.muli %select_n3A_30, %mul3A_623 : i32
      %add3A_625 = arith.constant 1 : i32
      %add3A_626 = arith.addi %mul3A_624, %add3A_625 : i32
      %mul3A_627 = arith.constant 16384 : i32
      %mul3A_628 = arith.muli %add3A_626, %mul3A_627 : i32
      %add3A_629 = arith.constant 384 : i32
      %add3A_630 = arith.addi %mul3A_628, %add3A_629 : i32
      %add3A_631 = vector.broadcast %add3A_630 : i32 to vector<16xi32>
      %add3A_632 = arith.addi %add3A_425, %add3A_631 : vector<16xi32>
      %add3A_633 = arith.constant 16384 : i32
      %add3A_634 = arith.addi %add3A_446, %add3A_633 : i32
      %add3A_635 = arith.constant 384 : i32
      %add3A_636 = arith.addi %add3A_634, %add3A_635 : i32
      %swap3A_637 = arith.index_cast %add3A_636 : i32 to index
      %swap3A_638 = tpu.vector_load %arg10[%swap3A_637] {strides = array<i32>} : memref<32768xi32, #tpu.memory_space<vmem>>, vector<16xi32>,
      tpu.vector_store %arg10[%swap3A_637], %add3A_632 {strides = array<i32>} : memref<32768xi32, #tpu.memory_space<vmem>>, vector<16xi32>,
      %mul3A_639 = arith.constant 2 : i32
      %mul3A_640 = arith.muli %select_n3A_30, %mul3A_639 : i32
      %add3A_641 = arith.constant 1 : i32
      %add3A_642 = arith.addi %mul3A_640, %add3A_641 : i32
      %mul3A_643 = arith.constant 16384 : i32
      %mul3A_644 = arith.muli %add3A_642, %mul3A_643 : i32
      %add3A_645 = arith.constant 512 : i32
      %add3A_646 = arith.addi %mul3A_644, %add3A_645 : i32
      %add3A_647 = vector.broadcast %add3A_646 : i32 to vector<16xi32>
      %add3A_648 = arith.addi %add3A_425, %add3A_647 : vector<16xi32>
      %add3A_649 = arith.constant 16384 : i32
      %add3A_650 = arith.addi %add3A_446, %add3A_649 : i32
      %add3A_651 = arith.constant 512 : i32
      %add3A_652 = arith.addi %add3A_650, %add3A_651 : i32
      %swap3A_653 = arith.index_cast %add3A_652 : i32 to index
      %swap3A_654 = tpu.vector_load %arg10[%swap3A_653] {strides = array<i32>} : memref<32768xi32, #tpu.memory_space<vmem>>, vector<16xi32>,
      tpu.vector_store %arg10[%swap3A_653], %add3A_648 {strides = array<i32>} : memref<32768xi32, #tpu.memory_space<vmem>>, vector<16xi32>,
      %mul3A_655 = arith.constant 2 : i32
      %mul3A_656 = arith.muli %select_n3A_30, %mul3A_655 : i32
      %add3A_657 = arith.constant 1 : i32
      %add3A_658 = arith.addi %mul3A_656, %add3A_657 : i32
      %mul3A_659 = arith.constant 16384 : i32
      %mul3A_660 = arith.muli %add3A_658, %mul3A_659 : i32
      %add3A_661 = arith.constant 640 : i32
      %add3A_662 = arith.addi %mul3A_660, %add3A_661 : i32
      %add3A_663 = vector.broadcast %add3A_662 : i32 to vector<16xi32>
      %add3A_664 = arith.addi %add3A_425, %add3A_663 : vector<16xi32>
      %add3A_665 = arith.constant 16384 : i32
      %add3A_666 = arith.addi %add3A_446, %add3A_665 : i32
      %add3A_667 = arith.constant 640 : i32
      %add3A_668 = arith.addi %add3A_666, %add3A_667 : i32
      %swap3A_669 = arith.index_cast %add3A_668 : i32 to index
      %swap3A_670 = tpu.vector_load %arg10[%swap3A_669] {strides = array<i32>} : memref<32768xi32, #tpu.memory_space<vmem>>, vector<16xi32>,
      tpu.vector_store %arg10[%swap3A_669], %add3A_664 {strides = array<i32>} : memref<32768xi32, #tpu.memory_space<vmem>>, vector<16xi32>,
      %mul3A_671 = arith.constant 2 : i32
      %mul3A_672 = arith.muli %select_n3A_30, %mul3A_671 : i32
      %add3A_673 = arith.constant 1 : i32
      %add3A_674 = arith.addi %mul3A_672, %add3A_673 : i32
      %mul3A_675 = arith.constant 16384 : i32
      %mul3A_676 = arith.muli %add3A_674, %mul3A_675 : i32
      %add3A_677 = arith.constant 768 : i32
      %add3A_678 = arith.addi %mul3A_676, %add3A_677 : i32
      %add3A_679 = vector.broadcast %add3A_678 : i32 to vector<16xi32>
      %add3A_680 = arith.addi %add3A_425, %add3A_679 : vector<16xi32>
      %add3A_681 = arith.constant 16384 : i32
      %add3A_682 = arith.addi %add3A_446, %add3A_681 : i32
      %add3A_683 = arith.constant 768 : i32
      %add3A_684 = arith.addi %add3A_682, %add3A_683 : i32
      %swap3A_685 = arith.index_cast %add3A_684 : i32 to index
      %swap3A_686 = tpu.vector_load %arg10[%swap3A_685] {strides = array<i32>} : memref<32768xi32, #tpu.memory_space<vmem>>, vector<16xi32>,
      tpu.vector_store %arg10[%swap3A_685], %add3A_680 {strides = array<i32>} : memref<32768xi32, #tpu.memory_space<vmem>>, vector<16xi32>,
      %mul3A_687 = arith.constant 2 : i32
      %mul3A_688 = arith.muli %select_n3A_30, %mul3A_687 : i32
      %add3A_689 = arith.constant 1 : i32
      %add3A_690 = arith.addi %mul3A_688, %add3A_689 : i32
      %mul3A_691 = arith.constant 16384 : i32
      %mul3A_692 = arith.muli %add3A_690, %mul3A_691 : i32
      %add3A_693 = arith.constant 896 : i32
      %add3A_694 = arith.addi %mul3A_692, %add3A_693 : i32
      %add3A_695 = vector.broadcast %add3A_694 : i32 to vector<16xi32>
      %add3A_696 = arith.addi %add3A_425, %add3A_695 : vector<16xi32>
      %add3A_697 = arith.constant 16384 : i32
      %add3A_698 = arith.addi %add3A_446, %add3A_697 : i32
      %add3A_699 = arith.constant 896 : i32
      %add3A_700 = arith.addi %add3A_698, %add3A_699 : i32
      %swap3A_701 = arith.index_cast %add3A_700 : i32 to index
      %swap3A_702 = tpu.vector_load %arg10[%swap3A_701] {strides = array<i32>} : memref<32768xi32, #tpu.memory_space<vmem>>, vector<16xi32>,
      tpu.vector_store %arg10[%swap3A_701], %add3A_696 {strides = array<i32>} : memref<32768xi32, #tpu.memory_space<vmem>>, vector<16xi32>,
      %convert_element_type3A_703 = arith.extui %lt3A_428 : vector<16xi1> to vector<16xi32>
      %reduce_sum3A = arith.constant true
      %reduce_sum3A_704 = vector.broadcast %reduce_sum3A : i1 to vector<16xi1>
      %reduce_sum3A_705 = tpu.scan <sum>, %convert_element_type3A_703 masked %reduce_sum3A_704 : vector<16xi32>, vector<16xi1> -> vector<16xi32>
      %reduce_sum3A_706 = vector.extract %reduce_sum3A_705[15] : i32 from vector<16xi32>
      %add3A_707 = arith.addi %scan3A_394, %reduce_sum3A_706 : i32
      scf.yield %add3A_707 : i32
    }
    %scan3A_368 = arith.constant 128 : i32
    %dma_start3A_369 = arith.constant 0 : i32
    %dma_start3A_370 = tpu.memref_slice %arg2[%dma_start3A_369] : memref<20971520xf32, #tpu.memory_space<hbm>> -> memref<20971520xf32, #tpu.memory_space<hbm>>
    tpu.enqueue_indirect_dma source(%dma_start3A_370 : memref<20971520xf32, #tpu.memory_space<hbm>>) target(%arg11 : memref<32768xf32, #tpu.memory_space<vmem>>) offsets(%arg10 : memref<32768xi32, #tpu.memory_space<vmem>>) semaphore(%arg13 : memref<!tpu.dma_semaphore, #tpu.memory_space<semaphore_mem>>)
    %dma_wait3A_371 = arith.constant 0 : i32
    %dma_wait3A_372 = tpu.memref_slice %arg2[%dma_wait3A_371] : memref<20971520xf32, #tpu.memory_space<hbm>> -> memref<20971520xf32, #tpu.memory_space<hbm>>
    tpu.wait_indirect_dma semaphore(%arg13 : memref<!tpu.dma_semaphore, #tpu.memory_space<semaphore_mem>>) src(%dma_wait3A_372 : memref<20971520xf32, #tpu.memory_space<hbm>>) dst(%arg11 : memref<32768xf32, #tpu.memory_space<vmem>>)
    %gt3A = arith.constant 0 : i32
    %gt3A_373 = arith.cmpi sgt, %scan3A_367, %gt3A : i32
    %convert_element_type3A = arith.extui %gt3A_373 : i1 to i32
    %cond3A = arith.constant 0 : i32
    %cond3A_374 = arith.cmpi ne, %convert_element_type3A, %cond3A : i32
    scf.if %cond3A_374 {
      %scan3A_393 = arith.constant 0 : i32
      %scan3A_394 = arith.constant 0 : i32
      %scan3A_395 = arith.constant 2048 : i32
      %scan3A_396 = arith.addi %scan3A_394, %scan3A_395 : i32
      %scan3A_397 = arith.constant 1 : i32
      scf.for %scan3A_399 = %scan3A_394 to %scan3A_396 step %scan3A_397  : i32 {
        %shift_right_arithmetic3A = arith.constant 6 : i32
        %shift_right_arithmetic3A_400 = arith.shrsi %scan3A_399, %shift_right_arithmetic3A : i32
        %and3A_401 = arith.constant 15 : i32
        %and3A_402 = arith.andi %shift_right_arithmetic3A_400, %and3A_401 : i32
        %mul3A_403 = arith.constant 128 : i32
        %mul3A_404 = arith.muli %and3A_402, %mul3A_403 : i32
        %and3A_405 = arith.constant 7 : i32
        %and3A_406 = arith.andi %scan3A_399, %and3A_405 : i32
        %mul3A_407 = arith.constant 16 : i32
        %mul3A_408 = arith.muli %and3A_406, %mul3A_407 : i32
        %add3A_409 = arith.addi %mul3A_404, %mul3A_408 : i32
        %get3A = arith.index_cast %add3A_409 : i32 to index
        %get3A_410 = tpu.vector_load %arg9[%get3A] {strides = array<i32>} : memref<2048xf32, #tpu.memory_space<vmem>>, vector<16xf32>,
        %mul3A_411 = arith.constant 16 : i32
        %mul3A_412 = arith.muli %scan3A_399, %mul3A_411 : i32
        %get3A_413 = arith.index_cast %mul3A_412 : i32 to index
        %get3A_414 = tpu.vector_load %arg11[%get3A_413] {strides = array<i32>} : memref<32768xf32, #tpu.memory_space<vmem>>, vector<16xf32>,
        %mul3A_415 = arith.mulf %get3A_414, %get3A_410 : vector<16xf32>
        %mul3A_416 = arith.constant 16 : i32
        %mul3A_417 = arith.muli %scan3A_399, %mul3A_416 : i32
        %swap3A_418 = arith.index_cast %mul3A_417 : i32 to index
        %swap3A_419 = tpu.vector_load %arg11[%swap3A_418] {strides = array<i32>} : memref<32768xf32, #tpu.memory_space<vmem>>, vector<16xf32>,
        tpu.vector_store %arg11[%swap3A_418], %mul3A_415 {strides = array<i32>} : memref<32768xf32, #tpu.memory_space<vmem>>, vector<16xf32>,
      }
      %scan3A_398 = arith.constant 2048 : i32
    } else {
    }
    %mul3A_375 = arith.constant 65536 : i32
    %mul3A_376 = arith.muli %add3A, %mul3A_375 : i32
    %mul3A_377 = arith.constant 2 : i32
    %mul3A_378 = arith.muli %select_n3A_30, %mul3A_377 : i32
    %add3A_379 = arith.constant 0 : i32
    %add3A_380 = arith.addi %mul3A_378, %add3A_379 : i32
    %mul3A_381 = arith.constant 16384 : i32
    %mul3A_382 = arith.muli %add3A_380, %mul3A_381 : i32
    %add3A_383 = arith.addi %mul3A_376, %mul3A_382 : i32
    "tpu.region"() ({
      %run_scoped3A = tpu.sem_alloc : memref<!tpu.dma_semaphore, #tpu.memory_space<semaphore_mem>>
      %dma_start3A_393 = arith.constant 0 : i32
      %dma_start3A_394 = tpu.memref_slice %arg11[%dma_start3A_393] : memref<32768xf32, #tpu.memory_space<vmem>> -> memref<16384xf32, #tpu.memory_space<vmem>>
      %dma_start3A_395 = tpu.memref_slice %arg4[%add3A_383] : memref<1048576xf32, #tpu.memory_space<hbm>> -> memref<16384xf32, #tpu.memory_space<hbm>>
      %dma_start3A_396 = tpu.memref_slice %arg4[%add3A_383] : memref<1048576xf32, #tpu.memory_space<hbm>> -> memref<16384xf32, #tpu.memory_space<hbm>>
      %dma_start3A_397 = arith.constant 0 : i32
      %dma_start3A_398 = tpu.memref_slice %arg11[%dma_start3A_397] : memref<32768xf32, #tpu.memory_space<vmem>> -> memref<16384xf32, #tpu.memory_space<vmem>>
      tpu.enqueue_dma source(%dma_start3A_398 : memref<16384xf32, #tpu.memory_space<vmem>>) target(%dma_start3A_396 : memref<16384xf32, #tpu.memory_space<hbm>>) target_semaphore(%run_scoped3A : memref<!tpu.dma_semaphore, #tpu.memory_space<semaphore_mem>>)
      %dma_wait3A_399 = arith.constant 0 : i32
      %dma_wait3A_400 = tpu.memref_slice %arg11[%dma_wait3A_399] : memref<32768xf32, #tpu.memory_space<vmem>> -> memref<16384xf32, #tpu.memory_space<vmem>>
      %dma_wait3A_401 = tpu.memref_slice %arg4[%add3A_383] : memref<1048576xf32, #tpu.memory_space<hbm>> -> memref<16384xf32, #tpu.memory_space<hbm>>
      %dma_wait3A_402 = tpu.memref_slice %arg4[%add3A_383] : memref<1048576xf32, #tpu.memory_space<hbm>> -> memref<16384xf32, #tpu.memory_space<hbm>>
      %dma_wait3A_403 = arith.constant 0 : i32
      %dma_wait3A_404 = tpu.memref_slice %arg11[%dma_wait3A_403] : memref<32768xf32, #tpu.memory_space<vmem>> -> memref<16384xf32, #tpu.memory_space<vmem>>
      tpu.wait_dma2 semaphore(%run_scoped3A : memref<!tpu.dma_semaphore, #tpu.memory_space<semaphore_mem>>) src(%dma_wait3A_404 : memref<16384xf32, #tpu.memory_space<vmem>>) dst(%dma_wait3A_402 : memref<16384xf32, #tpu.memory_space<hbm>>)
      tpu.yield
    }) : () -> ()
    %mul3A_384 = arith.constant 65536 : i32
    %mul3A_385 = arith.muli %add3A, %mul3A_384 : i32
    %mul3A_386 = arith.constant 2 : i32
    %mul3A_387 = arith.muli %select_n3A_30, %mul3A_386 : i32
    %add3A_388 = arith.constant 1 : i32
    %add3A_389 = arith.addi %mul3A_387, %add3A_388 : i32
    %mul3A_390 = arith.constant 16384 : i32
    %mul3A_391 = arith.muli %add3A_389, %mul3A_390 : i32
    %add3A_392 = arith.addi %mul3A_385, %mul3A_391 : i32
    "tpu.region"() ({
      %run_scoped3A = tpu.sem_alloc : memref<!tpu.dma_semaphore, #tpu.memory_space<semaphore_mem>>
      %dma_start3A_393 = arith.constant 16384 : i32
      %dma_start3A_394 = tpu.memref_slice %arg11[%dma_start3A_393] : memref<32768xf32, #tpu.memory_space<vmem>> -> memref<16384xf32, #tpu.memory_space<vmem>>
      %dma_start3A_395 = tpu.memref_slice %arg4[%add3A_392] : memref<1048576xf32, #tpu.memory_space<hbm>> -> memref<16384xf32, #tpu.memory_space<hbm>>
      %dma_start3A_396 = tpu.memref_slice %arg4[%add3A_392] : memref<1048576xf32, #tpu.memory_space<hbm>> -> memref<16384xf32, #tpu.memory_space<hbm>>
      %dma_start3A_397 = arith.constant 16384 : i32
      %dma_start3A_398 = tpu.memref_slice %arg11[%dma_start3A_397] : memref<32768xf32, #tpu.memory_space<vmem>> -> memref<16384xf32, #tpu.memory_space<vmem>>
      tpu.enqueue_dma source(%dma_start3A_398 : memref<16384xf32, #tpu.memory_space<vmem>>) target(%dma_start3A_396 : memref<16384xf32, #tpu.memory_space<hbm>>) target_semaphore(%run_scoped3A : memref<!tpu.dma_semaphore, #tpu.memory_space<semaphore_mem>>)
      %dma_wait3A_399 = arith.constant 16384 : i32
      %dma_wait3A_400 = tpu.memref_slice %arg11[%dma_wait3A_399] : memref<32768xf32, #tpu.memory_space<vmem>> -> memref<16384xf32, #tpu.memory_space<vmem>>
      %dma_wait3A_401 = tpu.memref_slice %arg4[%add3A_392] : memref<1048576xf32, #tpu.memory_space<hbm>> -> memref<16384xf32, #tpu.memory_space<hbm>>
      %dma_wait3A_402 = tpu.memref_slice %arg4[%add3A_392] : memref<1048576xf32, #tpu.memory_space<hbm>> -> memref<16384xf32, #tpu.memory_space<hbm>>
      %dma_wait3A_403 = arith.constant 16384 : i32
      %dma_wait3A_404 = tpu.memref_slice %arg11[%dma_wait3A_403] : memref<32768xf32, #tpu.memory_space<vmem>> -> memref<16384xf32, #tpu.memory_space<vmem>>
      tpu.wait_dma2 semaphore(%run_scoped3A : memref<!tpu.dma_semaphore, #tpu.memory_space<semaphore_mem>>) src(%dma_wait3A_404 : memref<16384xf32, #tpu.memory_space<vmem>>) dst(%dma_wait3A_402 : memref<16384xf32, #tpu.memory_space<hbm>>)
      tpu.yield
    }) : () -> ()
    return
  }
}

</mosaic_0001>

<sc_bundles>
// kernel: _realign.3.cloned.1.call-start
scs
__scs_entry_jumppad:
0x0: {  	(pc) =	sbr.rel $0x88, $3  }
0x1: {  	(tag) =	ssettag $0x0;
	lr =	simm.s32 $0x1  }
0x2: {  	[smem:$0x3F9F] =	sst lr;
	_ =	strace $0xD0000000  }
0x3: {  	_ = 	snop  }
0x4: {  	_ = 	snop  }
0x5: {  	_ = 	snop  }
0x6: {  	_ = 	snop  }
0x7: {  	_ = 	snop  }
__scs_overlays_trampoline_lowered:
0x8: {  	[smem:$0x3FAE] =	sst s0  }
0x9: {  	[smem:$0x3FAF] =	sst s1  }
0xa: {  	[smem:$0x3FB0] =	sst s2  }
0xb: {  	[smem:$0x3FB1] =	sst s3  }
0xc: {  	[smem:$0x3FB2] =	sst s4  }
0xd: {  	[smem:$0x3FB3] =	sst s5  }
0xe: {  	[smem:$0x3FB4] =	sst s6  }
0xf: {  	[smem:$0x3FB5] =	sst s7  }
0x10: {  	[smem:$0x3FB6] =	sst s8  }
0x11: {  	[smem:$0x3FB7] =	sst s9;
	s0 =	simm.s32 @!p0 $0x0  }
0x12: {  	s1 =	sld [smem:$0x3F9D];
	s0 =	simm.s32 @p0 $0x1  }
0x13: {  	[smem:$0x3FB8] =	sst s0;
	s0 =	simm.s32 @!p1 $0x0  }
0x14: {  	s2 =	sld [smem:$0x3F9C];
	s0 =	simm.s32 @p1 $0x1  }
0x15: {  	[smem:$0x3FB9] =	sst s0;
	s0 =	simm.s32 @!p2 $0x0  }
0x16: {  	s3 =	sld [smem:$0x3FDB];
	s0 =	simm.s32 @p2 $0x1  }
0x17: {  	s4 =	simm.s32 $0x1BF5;
	[smem:$0x3FBB] =	sst s0  }
0x18: {  	s0 =	sld [smem:$0x3F9E];
	_ =	swait.ge [sflag:s4], $0x0  }
0x19: {  	s7 =	sld [smem:$0x3F9F]  }
0x1a: {  	s8 =	sadd.s32 $0xFFFFE003, lr  }
0x1b: {  	s9 =	sadd.s32 $0xFFFFFEF7, lr;
	s5 =	simm.s32 $0xFFFFFFFF;
	p2 =	slt.u32 s8, $0xFFFFF086  }
0x1c: {  	p1 =	slt.u32 s9, $0xF7A;
	s5 =	simm.s32 @!p2 $0x0  }
0x1d: {  	s5 =	simm.s32 @p1 $0x1;
	p0 =	seq.s32 s7, s2  }
0x1e: {  	s7 =	smul.u32 @!p0 $0xF7A, s2;
	p2 =	seq.s32 @!p0 s5, $0x0  }
0x1f: {  	s9 =	smul.u32 $0xF7A, s1;
	s8 =	simm.s32 @!p0 $0x1BF5;
	p2 =	por !p2, p0  }
0x20: {  	[sflag:s8] =	ssyncset.s32 @!p0 $0xFFFFF086;
	s6 =	sadd.s32 @!p0 s3, s7;
	s7 =	simm.s32 @!p0 $0x108  }
0x21: {  	s3 =	sadd.s32 s3, s9;
	s6 =	sadd.s32 @!p0 $0x88, s6;
	s7 =	simm.s32 @p2 $0x1082  }
0x22: {  	[simem:s7], [sflag:s8] =	dma.local @!p0 [hbm:s6], $0xF7A  }
0x23: {  	s9 =	sor.u32 $0xD0000000, s2;
	s6 =	simm.s32 $0x108;
	_ =	swait.ge @!p0 [sflag:s8], $0x0  }
0x24: {  	s3 =	sadd.s32 $0x88, s3;
	s6 =	simm.s32 @!p1 $0x1082;
	[sflag:s4] =	ssyncset.s32 $0xFFFFF086  }
0x25: {  	[simem:s6], [sflag:s4] =	dma.local [hbm:s3], $0xF7A  }
0x26: {  	[smem:$0x3F9F] =	sst s1;
	(tag) =	ssettag s2;
	_ =	strace s9  }
0x27: {  	s1 =	sld [smem:$0x3FAF]  }
0x28: {  	s2 =	sld [smem:$0x3FB0]  }
0x29: {  	s4 =	sld [smem:$0x3FB2]  }
0x2a: {  	p0 =	seq.s32 s5, $0x0;
	s5 =	sld [smem:$0x3FB3]  }
0x2b: {  	s6 =	sld [smem:$0x3FB4]  }
0x2c: {  	s7 =	sld [smem:$0x3FB5]  }
0x2d: {  	s3 =	simm.s32 $0x108;
	s8 =	sld [smem:$0x3FB6]  }
0x2e: {  	s3 =	simm.s32 @!p0 $0x1082;
	s9 =	sld [smem:$0x3FB7]  }
0x2f: {  	lr =	sadd.s32 s0, s3;
	s0 =	sld [smem:$0x3FAE]  }
0x30: {  	s3 =	sld [smem:$0x3FB1]  }
0x31: {  	[smem:$0x3FBA] =	sst s10  }
0x32: {  	s10 =	sld [smem:$0x3FB8];
	_ =	sdelay $0x3  }
0x33: {  	p0 =	seq.s32 s10, $0x1;
	s10 =	sld [smem:$0x3FBA];
	_ =	sdelay $0x3  }
0x34: {  	[smem:$0x3FBA] =	sst s10  }
0x35: {  	s10 =	sld [smem:$0x3FB9];
	_ =	sdelay $0x3  }
0x36: {  	p1 =	seq.s32 s10, $0x1;
	s10 =	sld [smem:$0x3FBA];
	_ =	sdelay $0x3  }
0x37: {  	[smem:$0x3FBA] =	sst s10  }
0x38: {  	s10 =	sld [smem:$0x3FBB]  }
0x39: {  	_ = 	snop;
	(pc) =	sbr.ind lr, $3  }
0x3a: {  	_ = 	snop  }
0x3b: {  	_ = 	snop  }
0x3c: {  	p2 =	seq.s32 s10, $0x1;
	s10 =	sld [smem:$0x3FBA]  }
0x3d: {  	_ =	shalt  }
0x3e: {  	_ =	shalt  }
0x3f: {  	_ =	shalt  }
0x40: {  	_ =	shalt  }
0x41: {  	_ =	shalt  }
0x42: {  	_ =	shalt  }
0x43: {  	_ =	shalt  }
0x44: {  	_ =	shalt  }
0x45: {  	_ =	shalt  }
0x46: {  	_ =	shalt  }
0x47: {  	_ =	shalt  }
0x48: {  	_ =	shalt  }
0x49: {  	_ =	shalt  }
0x4a: {  	_ =	shalt  }
0x4b: {  	_ =	shalt  }
0x4c: {  	_ =	shalt  }
0x4d: {  	_ =	shalt  }
0x4e: {  	_ =	shalt  }
0x4f: {  	_ =	shalt  }
0x50: {  	_ =	shalt  }
0x51: {  	_ =	shalt  }
0x52: {  	_ =	shalt  }
0x53: {  	_ =	shalt  }
0x54: {  	_ =	shalt  }
0x55: {  	_ =	shalt  }
0x56: {  	_ =	shalt  }
0x57: {  	_ =	shalt  }
0x58: {  	_ =	shalt  }
0x59: {  	_ =	shalt  }
0x5a: {  	_ =	shalt  }
0x5b: {  	_ =	shalt  }
0x5c: {  	_ =	shalt  }
0x5d: {  	_ =	shalt  }
0x5e: {  	_ =	shalt  }
0x5f: {  	_ =	shalt  }
0x60: {  	_ =	shalt  }
0x61: {  	_ =	shalt  }
0x62: {  	_ =	shalt  }
0x63: {  	_ =	shalt  }
0x64: {  	_ =	shalt  }
0x65: {  	_ =	shalt  }
0x66: {  	_ =	shalt  }
0x67: {  	_ =	shalt  }
0x68: {  	_ =	shalt  }
0x69: {  	_ =	shalt  }
0x6a: {  	_ =	shalt  }
0x6b: {  	_ =	shalt  }
0x6c: {  	_ =	shalt  }
0x6d: {  	_ =	shalt  }
0x6e: {  	_ =	shalt  }
0x6f: {  	_ =	shalt  }
0x70: {  	_ =	shalt  }
0x71: {  	_ =	shalt  }
0x72: {  	_ =	shalt  }
0x73: {  	_ =	shalt  }
0x74: {  	_ =	shalt  }
0x75: {  	_ =	shalt  }
0x76: {  	_ =	shalt  }
0x77: {  	_ =	shalt  }
0x78: {  	_ =	shalt  }
0x79: {  	_ =	shalt  }
0x7a: {  	_ =	shalt  }
0x7b: {  	_ =	shalt  }
0x7c: {  	_ =	shalt  }
0x7d: {  	_ =	shalt  }
0x7e: {  	_ =	shalt  }
0x7f: {  	_ =	shalt  }
0x80: {  	_ =	shalt  }
0x81: {  	_ =	shalt  }
0x82: {  	_ =	shalt  }
0x83: {  	_ =	shalt  }
0x84: {  	_ =	shalt  }
0x85: {  	_ =	shalt  }
0x86: {  	_ =	shalt  }
0x87: {  	_ =	shalt  }
.Lfunc_end0:
.L_simem_size_0:
called_computation_lowered:
.L_overlay_start_0:
0x88: {  	s2 =	sld [smem:$0x3FD9]  }
0x89: {  	s3 =	sld [smem:$0x3FFE];
	_ =	sdelay $0x1  }
0x8a: {  	s1 =	srdreg.scid  }
0x8b: {  	s0 =	sand.u32 $0x1, s1  }
0x8c: {  	s18 =	sshll.u32 s0, $0xA;
	s2 =	sadd.s32 s3, s2  }
0x8d: {  	s2 =	sadd.s32 s2, s18  }
0x8e: {  	[smem:$0x3FC6] =	sst s2  }
0x8f: {  	_ = 	snop  }
0x90: {  	s2 =	sld [smem:$0x3FC9]  }
0x91: {  	s19 =	sld [smem:$0x3FC8]  }
0x92: {  	s4 =	sld [smem:$0x3FD0];
	(tm) =	ssettm $0x1  }
0x93: {  	s5 =	sld [smem:$0x3FFB];
	_ =	sdelay $0x3  }
0x94: {  	_ =	strace s5  }
0x95: {  	s5 =	sld [smem:$0x3FFC];
	_ =	sdelay $0x3  }
0x96: {  	_ =	strace s5  }
0x97: {  	s5 =	sld [smem:$0x3FFD];
	_ =	sdelay $0x3  }
0x98: {  	_ =	strace s5  }
0x99: {  	_ =	strace $0x8FFFFFFF  }
0x9a: {  	s20 =	sld [smem:$0x3FDB];
	_ =	sdelay $0x1  }
0x9b: {  	s6 =	simm.s32 $_scs_section_size  }
0x9c: {  	s7 =	simm.s32 $_size__tile_overlayer_lowered;
	s8 =	simm.s32 $_tile_overlayer_lowered  }
0x9d: {  	s23 =	simm.s32 $0x1BFF;
	s22 =	sshll.u32 s8, $0x1;
	s5 =	sadd.s32 s6, s20  }
0x9e: {  	s9 =	simm.s32 $0x0;
	s21 =	sshll.u32 s7, $0x1;
	s7 =	sadd.s32 s22, s5  }
0x9f: {  	[timem:s9], [sflag:s23] =	dma.local [hbm:s7], s21  }
0xa0: {  	_ =	swait.ge [sflag:s23], s21  }
0xa1: {  	s6 =	ssub.s32 $0x0, s21;
	[sflag:s23] =	ssyncset.done $0x0  }
0xa2: {  	[sflag:s23] =	ssyncadd.s32 s6;
	_ =	sdelay $0x1  }
0xa3: {  	s24 =	simm.s32 $0x1B8B  }
0xa4: {  	_ =	swait.ge [sflag:s24], $0x1  }
0xa5: {  	[sflag:s24] =	ssyncset.done $0x0  }
0xa6: {  	s25 =	simm.s32 $0x1B8E;
	[sflag:s24] =	ssyncadd.s32 $0xFFFFFFFF  }
0xa7: {  	s26 =	simm.s32 $execute0_lowered;
	[smem:$0x3FD2] =	sst s25  }
0xa8: {  	s6 =	sshll.u32 s26, $0x1;
	_ =	strace $0x80000046;
	[dreg:$0x1] =	wrdreg $0xFFFFFFFF  }
0xa9: {  	s28 =	simm.s32 $_size_execute0_lowered;
	s5 =	sadd.s32 s5, s6;
	[dreg:$0x0] =	wrdreg $0x0  }
0xaa: {  	s6 =	sshll.u32 s28, $0x1;
	[dreg:$0x2] =	wrdreg s5  }
0xab: {  	[dreg:$0x3] =	wrdreg s6  }
0xac: {  	[dreg:$0x4] =	wrdreg $0xC0  }
0xad: {  	_ =	task [dreg:s9], $0x5FFFF  }
0xae: {  	[dreg:$0x1] =	wrdreg $0xFFFFFFFF  }
0xaf: {  	[dreg:$0x0] =	wrdreg $0x60  }
0xb0: {  	[dreg:$0x2] =	wrdreg s2  }
0xb1: {  	[dreg:$0x3] =	wrdreg s19  }
0xb2: {  	[dreg:$0x4] =	wrdreg s4  }
0xb3: {  	[dreg:$0x5] =	wrdreg $0x180000  }
0xb4: {  	[dreg:$0x6] =	wrdreg $0x9  }
0xb5: {  	_ =	task.clear_ibuf [dreg:s9], $0x7FFFF;
	_ =	strace $0x90000046  }
0xb6: {  	s29 =	simm.s32 $0x9;
	_ =	strace $0x80000048  }
0xb7: {  	_ =	swait.ge [sflag:s29], $0x1  }
0xb8: {  	[sflag:s29] =	ssyncadd.s32 $0xFFFFFFFF  }
0xb9: {  	_ =	strace $0x90000048  }
0xba: {  	_ =	sfence  }
0xbb: {  	s30 =	sld [smem:$0x0];
	_ =	sdelay $0x2  }
0xbc: {  	s31 =	sshll.u32 s1, $0xD;
	s1 =	sshrl.u32 s1, $0x2  }
0xbd: {  	s3 =	sand.u32 $0x4000, s31;
	s1 =	sadd.s32 s1, s30  }
0xbe: {  	s0 =	sor.u32 s3, s0;
	s1 =	sshll.u32 s1, $0x11  }
0xbf: {  	s0 =	sor.u32 s1, s0  }
0xc0: {  	s0 =	sadd.s32 $0x8F2B, s0  }
0xc1: {  	[sflag:s0] =	ssyncadd.remote.s32 $0x1  }
0xc2: {  	_ =	sfence.sel $0xFFFF  }
0xc3: {  	[dreg:$0x0] =	wrdreg $0xFFFFFFFF;
	(pc) =	sbr.abs _section_cstart, $3  }
0xc4: {  	[dreg:$0x1] =	wrdreg $0xFFFFFFFF  }
0xc5: {  	_ =	task.clear_ibuf [dreg:s9], $0x2FFFF;
	_ =	strace $0x9FFFFFFF  }
0xc6: {  	(tm) =	ssettm $0x7FFFFFFF  }
0xc7: {  	_ =	shalt  }
tec
execute0_lowered:
.L_overlay_start_1:
0x0: {  	(tag) =	ssettag $0x1  }
0x1: {  	s0 =	rddreg [dreg:$0x1]  }
0x2: {  	s1 =	rddreg [dreg:$0x2];
	s2 =	srdreg.scid  }
0x3: {  	s3 =	rddreg [dreg:$0x3];
	s10 =	stileid.u32  }
0x4: {  	s5 =	sand.u32 $0x1, s2;
	s2 =	simm.s32 $0x0;
	s7 =	sshrl.u32 s10, $0x1  }
0x5: {  	s8 =	sand.u32 $0x1, s10;
	s21 =	sshll.u32 s10, $0xB;
	s10 =	sshll.u32 s10, $0x7  }
0x6: {  	s4 =	ssub.s32 $0x2, s5;
	[smem:$0x7FF] =	sst s2;
	s20 =	sshll.u32 s5, $0x3  }
0x7: {  	s5 =	sshll.u32 s5, $0xB;
	s11 =	sand.u32 $0x380, s10;
	s10 =	sand.u32 $0x300, s10  }
0x8: {  	s6 =	sshrl.u32 s4, $0x1;
	_ =	strace $0x80000047;
	s9 =	sor.u32 s7, s20  }
0x9: {  	s7 =	sshll.u32 s7, $0x4;
	s0 =	sadd.s32 s0, s5;
	s5 =	sand.u32 $0x4000, s21  }
0xa: {  	s21 =	sshll.u32 s8, $0xF;
	s6 =	ssub.s32 s4, s6;
	s4 =	sshll.u32 s8, $0xA  }
0xb: {  	s3 =	sadd.s32 s5, s3;
	s20 =	smul.u32 $0x140000, s9;
	s25 =	sor.u32 $0x4180, s21  }
0xc: {  	s12 =	sor.u32 $0x180, s21;
	s26 =	sor.u32 $0x4200, s21;
	[dreg:$0x17] =	wrdreg s25  }
0xd: {  	s13 =	sor.u32 $0x200, s21;
	s8 =	sor.u32 $0x4300, s21;
	[dreg:$0x18] =	wrdreg s26  }
0xe: {  	s14 =	sor.u32 $0x280, s21;
	s22 =	sadd.s32 s11, s3;
	[dreg:$0x19] =	wrdreg s8  }
0xf: {  	s15 =	sor.u32 $0x300, s21;
	s23 =	sadd.s32 s10, s3;
	[dreg:$0x5] =	wrdreg s22  }
0x10: {  	s17 =	sor.u32 $0x380, s21;
	s3 =	sor.u32 $0x4280, s21;
	[dreg:$0x6] =	wrdreg s23  }
0x11: {  	s18 =	sor.u32 $0x4000, s21;
	s19 =	sor.u32 $0x4080, s21;
	[dreg:$0x16] =	wrdreg s3  }
0x12: {  	s24 =	sshll.u32 s9, $0x10;
	s0 =	sadd.s32 s4, s0;
	v10 =	vmov s19;
	s19 =	rddreg [dreg:$0x17]  }
0x13: {  	s5 =	sadd.s32 s7, s0;
	s0 =	sadd.s32 $0x80, s23;
	v0 =	vmov s20;
	s20 =	rddreg [dreg:$0x18]  }
0x14: {  	s9 =	sor.u32 $0x4100, s21;
	s7 =	smax.u32 s6, $0x1;
	[dreg:$0x7] =	wrdreg s0  }
0x15: {  	s16 =	sor.u32 $0x4380, s21;
	s11 =	sor.u32 $0x100, s21;
	[dreg:$0x9] =	wrdreg s7  }
0x16: {  	v1 =	vmov s21;
	s22 =	sor.u32 $0x80, s21;
	s0 =	sor.u32 s21, s24;
	s21 =	rddreg [dreg:$0x16]  }
0x17: {  	v4 =	vmov s12;
	s12 =	simm.s32 $0x6000;
	s10 =	sadd.s32 $0x80, s5;
	v2 =	vmov s22;
	s22 =	rddreg [dreg:$0x19]  }
0x18: {  	v5 =	vmov s13;
	s13 =	simm.s32 $0x2;
	s23 =	sadd.s32 $0x100, s5;
	[dreg:$0xb] =	wrdreg s10  }
0x19: {  	v6 =	vmov s14;
	s14 =	simm.s32 $0x0;
	s24 =	sadd.s32 $0x180, s5;
	[dreg:$0xc] =	wrdreg s23  }
0x1a: {  	v3 =	vmov s11;
	s11 =	simm.s32 $0x1;
	s25 =	sadd.s32 $0x200, s5;
	[dreg:$0xd] =	wrdreg s24  }
0x1b: {  	s26 =	sadd.s32 $0x280, s5;
	s3 =	sadd.s32 $0x380, s5;
	[dreg:$0xe] =	wrdreg s25  }
0x1c: {  	s6 =	sadd.s32 $0x8000, s5;
	s7 =	sadd.s32 $0x8080, s5;
	[dreg:$0xf] =	wrdreg s26  }
0x1d: {  	s8 =	sadd.s32 $0x8100, s5;
	s28 =	sadd.s32 $0x10000, s5;
	[dreg:$0x11] =	wrdreg s3  }
0x1e: {  	s29 =	sadd.s32 $0x10080, s5;
	s30 =	sadd.s32 $0x10100, s5;
	[dreg:$0x12] =	wrdreg s6  }
0x1f: {  	s31 =	sadd.s32 $0x10180, s5;
	s0 =	sshrl.u32 s0, $0x3;
	[dreg:$0x13] =	wrdreg s7  }
0x20: {  	[dreg:$0x14] =	wrdreg s8;
	s10 =	sadd.s32 $0x8180, s5;
	s23 =	sadd.s32 $0x8200, s5  }
0x21: {  	s24 =	sadd.s32 $0x8280, s5;
	s25 =	sadd.s32 $0x8300, s5;
	s26 =	sadd.s32 $0x8380, s5  }
.Ltmp0:
0x22: {  	s3 =	sadd.s32 $0x10280, s5;
	s6 =	sadd.s32 $0x10380, s5;
	(pc) =	sbr.rel .LBB2_1-.Ltmp0, $4  }
0x23: {  	v17 =	vimm.s32 $0xFFFFFFFF;
	v18 =	vlaneseq.u32;
	v19 =	vimm.f32 $1.000000000e+00;
	s8 =	simm.s32 $0x80;
	s0 =	sadd.s32 s1, s0;
	[dreg:$0x15] =	wrdreg s10  }
0x24: {  	v7 =	vmov s15;
	v8 =	vmov s17;
	v9 =	vmov s18;
	s7 =	simm.s32 $0x8000;
	s1 =	sadd.s32 $0x300, s5;
	[dreg:$0x8] =	wrdreg s0  }
0x25: {  	v11 =	vmov s9;
	v16 =	vmov s16;
	v12 =	vmov s19;
	s10 =	simm.s32 $0x400;
	s0 =	sadd.s32 $0x800, s0;
	[dreg:$0x10] =	wrdreg s1  }
0x26: {  	v13 =	vmov s20;
	v14 =	vmov s21;
	v15 =	vmov s22;
	s1 =	sadd.s32 $0x10300, s5;
	[dreg:$0xa] =	wrdreg s0;
	s0 =	sadd.s32 $0x10200, s5  }
.LBB2_8:
0x27: {  	s9 =	sor.u32 s18, s19;
	v20 =	vld [tilespmem:s16+$0x0]  }
0x28: {  	v21 =	vld [tilespmem:s9+$0x7800];
	_ =	sdelay $0x4  }
0x29: {  	v20 =	vmul.f32 v20, v21;
	_ =	sdelay $0x1  }
0x2a: {  	[tilespmem:s16+$0x0] =	vst v20  }
.LBB2_9:
0x2b: {  	s9 =	rddreg [dreg:$0x8];
	s15 =	simm.s32 $0x10000  }
0x2c: {  	[hbm4b:s9+s2] =	stream.linear.scatter [tilespmem:s15], [sflag:$0x2], $0x4000, $0x38;
	[tilespmem:$0x18800] =	vst v63  }
0x2d: {  	_ =	swait.ge [sflag:s13], $0x4000  }
0x2e: {  	[sflag:s13] =	ssyncset.done $0x0  }
0x2f: {  	s21 =	simm.s32 $0x14000;
	s20 =	rddreg [dreg:$0xa];
	[sflag:s13] =	ssyncadd.s32 $0xFFFFC000  }
0x30: {  	[hbm4b:s20+s2] =	stream.linear.scatter [tilespmem:s21], [sflag:$0x2], $0x4000, $0x38;
	[tilespmem:$0x18800] =	vst v63  }
0x31: {  	_ =	swait.ge [sflag:s13], $0x4000  }
0x32: {  	s14 =	sadd.s32 $0x1, s14;
	s22 =	rddreg [dreg:$0x9]  }
0x33: {  	p0 =	sne.s32 s14, s22  }
.Ltmp1:
0x34: {  	_ = 	snop;
	(pc) =	sbr.rel @!p0 .LBB2_10-.Ltmp1, $3  }
0x35: {  	_ =	sdelay $0x1  }
0x36: {  	[sflag:s13] =	ssyncset.done $0x0  }
0x37: {  	[sflag:s13] =	ssyncadd.s32 $0xFFFFC000  }
.LBB2_1:
0x38: {  	[tilespmem:s2], [sflag:$0x1] =	stream.strided.gather [hbm4b:s5+s8], $0x400, s7, s8, $0x38;
	[tilespmem:$0x18800] =	vst v63  }
0x39: {  	s9 =	rddreg [dreg:$0xb]  }
0x3a: {  	[tilespmem:s10], [sflag:$0x1] =	stream.strided.gather [hbm4b:s9+s8], $0x400, s7, s8, $0x38;
	[tilespmem:$0x18800] =	vst v63  }
0x3b: {  	s16 =	rddreg [dreg:$0xc];
	s15 =	simm.s32 $0x800  }
0x3c: {  	[tilespmem:s15], [sflag:$0x1] =	stream.strided.gather [hbm4b:s16+s8], $0x400, s7, s8, $0x38;
	[tilespmem:$0x18800] =	vst v63  }
0x3d: {  	s17 =	rddreg [dreg:$0xd];
	s18 =	simm.s32 $0xC00  }
0x3e: {  	[tilespmem:s18], [sflag:$0x1] =	stream.strided.gather [hbm4b:s17+s8], $0x400, s7, s8, $0x38;
	[tilespmem:$0x18800] =	vst v63  }
0x3f: {  	s19 =	rddreg [dreg:$0xe];
	s20 =	simm.s32 $0x1000  }
0x40: {  	[tilespmem:s20], [sflag:$0x1] =	stream.strided.gather [hbm4b:s19+s8], $0x400, s7, s8, $0x38;
	[tilespmem:$0x18800] =	vst v63  }
0x41: {  	s21 =	rddreg [dreg:$0xf];
	s22 =	simm.s32 $0x1400  }
0x42: {  	[tilespmem:s22], [sflag:$0x1] =	stream.strided.gather [hbm4b:s21+s8], $0x400, s7, s8, $0x38;
	[tilespmem:$0x18800] =	vst v63  }
0x43: {  	s15 =	rddreg [dreg:$0x10];
	s16 =	simm.s32 $0x1800  }
0x44: {  	[tilespmem:s16], [sflag:$0x1] =	stream.strided.gather [hbm4b:s15+s8], $0x400, s7, s8, $0x38;
	[tilespmem:$0x18800] =	vst v63  }
0x45: {  	s17 =	rddreg [dreg:$0x11];
	s18 =	simm.s32 $0x1C00  }
0x46: {  	[tilespmem:s18], [sflag:$0x1] =	stream.strided.gather [hbm4b:s17+s8], $0x400, s7, s8, $0x38;
	[tilespmem:$0x18800] =	vst v63  }
0x47: {  	s19 =	rddreg [dreg:$0x12];
	s20 =	simm.s32 $0x2000  }
0x48: {  	[tilespmem:s20], [sflag:$0x1] =	stream.strided.gather [hbm4b:s19+s8], $0x400, s7, s8, $0x38;
	[tilespmem:$0x18800] =	vst v63  }
0x49: {  	s21 =	rddreg [dreg:$0x13];
	s22 =	simm.s32 $0x2400  }
0x4a: {  	[tilespmem:s22], [sflag:$0x1] =	stream.strided.gather [hbm4b:s21+s8], $0x400, s7, s8, $0x38;
	[tilespmem:$0x18800] =	vst v63  }
0x4b: {  	s15 =	rddreg [dreg:$0x14];
	s16 =	simm.s32 $0x2800  }
0x4c: {  	[tilespmem:s16], [sflag:$0x1] =	stream.strided.gather [hbm4b:s15+s8], $0x400, s7, s8, $0x38;
	[tilespmem:$0x18800] =	vst v63  }
0x4d: {  	s17 =	rddreg [dreg:$0x15];
	s18 =	simm.s32 $0x2C00  }
0x4e: {  	[tilespmem:s18], [sflag:$0x1] =	stream.strided.gather [hbm4b:s17+s8], $0x400, s7, s8, $0x38;
	[tilespmem:$0x18800] =	vst v63  }
0x4f: {  	s19 =	simm.s32 $0x3000  }
0x50: {  	[tilespmem:s19], [sflag:$0x1] =	stream.strided.gather [hbm4b:s23+s8], $0x400, s7, s8, $0x38;
	[tilespmem:$0x18800] =	vst v63  }
0x51: {  	s20 =	simm.s32 $0x3400  }
0x52: {  	[tilespmem:s20], [sflag:$0x1] =	stream.strided.gather [hbm4b:s24+s8], $0x400, s7, s8, $0x38;
	[tilespmem:$0x18800] =	vst v63  }
0x53: {  	s21 =	simm.s32 $0x3800  }
0x54: {  	[tilespmem:s21], [sflag:$0x1] =	stream.strided.gather [hbm4b:s25+s8], $0x400, s7, s8, $0x38;
	[tilespmem:$0x18800] =	vst v63  }
0x55: {  	s22 =	simm.s32 $0x3C00  }
0x56: {  	[tilespmem:s22], [sflag:$0x1] =	stream.strided.gather [hbm4b:s26+s8], $0x400, s7, s8, $0x38;
	[tilespmem:$0x18800] =	vst v63  }
0x57: {  	s15 =	simm.s32 $0x4000  }
0x58: {  	[tilespmem:s15], [sflag:$0x1] =	stream.strided.gather [hbm4b:s28+s8], $0x200, s7, s8, $0x38;
	[tilespmem:$0x18800] =	vst v63  }
0x59: {  	s16 =	simm.s32 $0x4400  }
0x5a: {  	[tilespmem:s16], [sflag:$0x1] =	stream.strided.gather [hbm4b:s29+s8], $0x200, s7, s8, $0x38;
	[tilespmem:$0x18800] =	vst v63  }
0x5b: {  	s17 =	simm.s32 $0x4800  }
0x5c: {  	[tilespmem:s17], [sflag:$0x1] =	stream.strided.gather [hbm4b:s30+s8], $0x200, s7, s8, $0x38;
	[tilespmem:$0x18800] =	vst v63  }
0x5d: {  	s18 =	simm.s32 $0x4C00  }
0x5e: {  	[tilespmem:s18], [sflag:$0x1] =	stream.strided.gather [hbm4b:s31+s8], $0x200, s7, s8, $0x38;
	[tilespmem:$0x18800] =	vst v63  }
0x5f: {  	s19 =	simm.s32 $0x5000  }
0x60: {  	[tilespmem:s19], [sflag:$0x1] =	stream.strided.gather [hbm4b:s0+s8], $0x200, s7, s8, $0x38;
	[tilespmem:$0x18800] =	vst v63  }
0x61: {  	s20 =	simm.s32 $0x5400  }
0x62: {  	[tilespmem:s20], [sflag:$0x1] =	stream.strided.gather [hbm4b:s3+s8], $0x200, s7, s8, $0x38;
	[tilespmem:$0x18800] =	vst v63  }
0x63: {  	s21 =	simm.s32 $0x5800  }
0x64: {  	[tilespmem:s21], [sflag:$0x1] =	stream.strided.gather [hbm4b:s1+s8], $0x200, s7, s8, $0x38;
	[tilespmem:$0x18800] =	vst v63  }
0x65: {  	s22 =	simm.s32 $0x5C00  }
0x66: {  	[tilespmem:s22], [sflag:$0x1] =	stream.strided.gather [hbm4b:s6+s8], $0x200, s7, s8, $0x38;
	[tilespmem:$0x18800] =	vst v63  }
0x67: {  	[tilespmem:$0x6000] =	vst v17  }
0x68: {  	[tilespmem:$0x6010] =	vst v17  }
0x69: {  	[tilespmem:$0x6020] =	vst v17  }
0x6a: {  	[tilespmem:$0x6030] =	vst v17  }
0x6b: {  	[tilespmem:$0x6040] =	vst v17  }
0x6c: {  	[tilespmem:$0x6050] =	vst v17  }
0x6d: {  	[tilespmem:$0x6060] =	vst v17  }
0x6e: {  	[tilespmem:$0x6070] =	vst v17  }
0x6f: {  	[tilespmem:$0x6080] =	vst v17  }
0x70: {  	[tilespmem:$0x6090] =	vst v17  }
0x71: {  	[tilespmem:$0x60A0] =	vst v17  }
0x72: {  	[tilespmem:$0x60B0] =	vst v17  }
0x73: {  	[tilespmem:$0x60C0] =	vst v17  }
0x74: {  	[tilespmem:$0x60D0] =	vst v17  }
0x75: {  	[tilespmem:$0x60E0] =	vst v17  }
0x76: {  	[tilespmem:$0x60F0] =	vst v17  }
0x77: {  	[tilespmem:$0x6100] =	vst v17  }
0x78: {  	[tilespmem:$0x6110] =	vst v17  }
0x79: {  	[tilespmem:$0x6120] =	vst v17  }
0x7a: {  	[tilespmem:$0x6130] =	vst v17  }
0x7b: {  	[tilespmem:$0x6140] =	vst v17  }
0x7c: {  	[tilespmem:$0x6150] =	vst v17  }
0x7d: {  	[tilespmem:$0x6160] =	vst v17  }
0x7e: {  	[tilespmem:$0x6170] =	vst v17  }
0x7f: {  	[tilespmem:$0x6180] =	vst v17  }
0x80: {  	[tilespmem:$0x6190] =	vst v17  }
0x81: {  	[tilespmem:$0x61A0] =	vst v17  }
0x82: {  	[tilespmem:$0x61B0] =	vst v17  }
0x83: {  	[tilespmem:$0x61C0] =	vst v17  }
0x84: {  	[tilespmem:$0x61D0] =	vst v17  }
0x85: {  	[tilespmem:$0x61E0] =	vst v17  }
0x86: {  	[tilespmem:$0x61F0] =	vst v17  }
0x87: {  	[tilespmem:$0x6200] =	vst v17  }
0x88: {  	[tilespmem:$0x6210] =	vst v17  }
0x89: {  	[tilespmem:$0x6220] =	vst v17  }
0x8a: {  	[tilespmem:$0x6230] =	vst v17  }
0x8b: {  	[tilespmem:$0x6240] =	vst v17  }
0x8c: {  	[tilespmem:$0x6250] =	vst v17  }
0x8d: {  	[tilespmem:$0x6260] =	vst v17  }
0x8e: {  	[tilespmem:$0x6270] =	vst v17  }
0x8f: {  	[tilespmem:$0x6280] =	vst v17  }
0x90: {  	[tilespmem:$0x6290] =	vst v17  }
0x91: {  	[tilespmem:$0x62A0] =	vst v17  }
0x92: {  	[tilespmem:$0x62B0] =	vst v17  }
0x93: {  	[tilespmem:$0x62C0] =	vst v17  }
0x94: {  	[tilespmem:$0x62D0] =	vst v17  }
0x95: {  	[tilespmem:$0x62E0] =	vst v17  }
0x96: {  	[tilespmem:$0x62F0] =	vst v17  }
0x97: {  	[tilespmem:$0x6300] =	vst v17  }
0x98: {  	[tilespmem:$0x6310] =	vst v17  }
0x99: {  	[tilespmem:$0x6320] =	vst v17  }
0x9a: {  	[tilespmem:$0x6330] =	vst v17  }
0x9b: {  	[tilespmem:$0x6340] =	vst v17  }
0x9c: {  	[tilespmem:$0x6350] =	vst v17  }
0x9d: {  	[tilespmem:$0x6360] =	vst v17  }
0x9e: {  	[tilespmem:$0x6370] =	vst v17  }
0x9f: {  	[tilespmem:$0x6380] =	vst v17  }
0xa0: {  	[tilespmem:$0x6390] =	vst v17  }
0xa1: {  	[tilespmem:$0x63A0] =	vst v17  }
0xa2: {  	[tilespmem:$0x63B0] =	vst v17  }
0xa3: {  	[tilespmem:$0x63C0] =	vst v17  }
0xa4: {  	[tilespmem:$0x63D0] =	vst v17  }
0xa5: {  	[tilespmem:$0x63E0] =	vst v17  }
0xa6: {  	[tilespmem:$0x63F0] =	vst v17  }
0xa7: {  	[tilespmem:$0x6400] =	vst v17  }
0xa8: {  	[tilespmem:$0x6410] =	vst v17  }
0xa9: {  	[tilespmem:$0x6420] =	vst v17  }
0xaa: {  	[tilespmem:$0x6430] =	vst v17  }
0xab: {  	[tilespmem:$0x6440] =	vst v17  }
0xac: {  	[tilespmem:$0x6450] =	vst v17  }
0xad: {  	[tilespmem:$0x6460] =	vst v17  }
0xae: {  	[tilespmem:$0x6470] =	vst v17  }
0xaf: {  	[tilespmem:$0x6480] =	vst v17  }
0xb0: {  	[tilespmem:$0x6490] =	vst v17  }
0xb1: {  	[tilespmem:$0x64A0] =	vst v17  }
0xb2: {  	[tilespmem:$0x64B0] =	vst v17  }
0xb3: {  	[tilespmem:$0x64C0] =	vst v17  }
0xb4: {  	[tilespmem:$0x64D0] =	vst v17  }
0xb5: {  	[tilespmem:$0x64E0] =	vst v17  }
0xb6: {  	[tilespmem:$0x64F0] =	vst v17  }
0xb7: {  	[tilespmem:$0x6500] =	vst v17  }
0xb8: {  	[tilespmem:$0x6510] =	vst v17  }
0xb9: {  	[tilespmem:$0x6520] =	vst v17  }
0xba: {  	[tilespmem:$0x6530] =	vst v17  }
0xbb: {  	[tilespmem:$0x6540] =	vst v17  }
0xbc: {  	[tilespmem:$0x6550] =	vst v17  }
0xbd: {  	[tilespmem:$0x6560] =	vst v17  }
0xbe: {  	[tilespmem:$0x6570] =	vst v17  }
0xbf: {  	[tilespmem:$0x6580] =	vst v17  }
0xc0: {  	[tilespmem:$0x6590] =	vst v17  }
0xc1: {  	[tilespmem:$0x65A0] =	vst v17  }
0xc2: {  	[tilespmem:$0x65B0] =	vst v17  }
0xc3: {  	[tilespmem:$0x65C0] =	vst v17  }
0xc4: {  	[tilespmem:$0x65D0] =	vst v17  }
0xc5: {  	[tilespmem:$0x65E0] =	vst v17  }
0xc6: {  	[tilespmem:$0x65F0] =	vst v17  }
0xc7: {  	[tilespmem:$0x6600] =	vst v17  }
0xc8: {  	[tilespmem:$0x6610] =	vst v17  }
0xc9: {  	[tilespmem:$0x6620] =	vst v17  }
0xca: {  	[tilespmem:$0x6630] =	vst v17  }
0xcb: {  	[tilespmem:$0x6640] =	vst v17  }
0xcc: {  	[tilespmem:$0x6650] =	vst v17  }
0xcd: {  	[tilespmem:$0x6660] =	vst v17  }
0xce: {  	[tilespmem:$0x6670] =	vst v17  }
0xcf: {  	[tilespmem:$0x6680] =	vst v17  }
0xd0: {  	[tilespmem:$0x6690] =	vst v17  }
0xd1: {  	[tilespmem:$0x66A0] =	vst v17  }
0xd2: {  	[tilespmem:$0x66B0] =	vst v17  }
0xd3: {  	[tilespmem:$0x66C0] =	vst v17  }
0xd4: {  	[tilespmem:$0x66D0] =	vst v17  }
0xd5: {  	[tilespmem:$0x66E0] =	vst v17  }
0xd6: {  	[tilespmem:$0x66F0] =	vst v17  }
0xd7: {  	[tilespmem:$0x6700] =	vst v17  }
0xd8: {  	[tilespmem:$0x6710] =	vst v17  }
0xd9: {  	[tilespmem:$0x6720] =	vst v17  }
0xda: {  	[tilespmem:$0x6730] =	vst v17  }
0xdb: {  	[tilespmem:$0x6740] =	vst v17  }
0xdc: {  	[tilespmem:$0x6750] =	vst v17  }
0xdd: {  	[tilespmem:$0x6760] =	vst v17  }
0xde: {  	[tilespmem:$0x6770] =	vst v17  }
0xdf: {  	[tilespmem:$0x6780] =	vst v17  }
0xe0: {  	[tilespmem:$0x6790] =	vst v17  }
0xe1: {  	[tilespmem:$0x67A0] =	vst v17  }
0xe2: {  	[tilespmem:$0x67B0] =	vst v17  }
0xe3: {  	[tilespmem:$0x67C0] =	vst v17  }
0xe4: {  	[tilespmem:$0x67D0] =	vst v17  }
0xe5: {  	[tilespmem:$0x67E0] =	vst v17  }
0xe6: {  	[tilespmem:$0x67F0] =	vst v17  }
0xe7: {  	_ =	swait.ge [sflag:s11], $0x5000  }
0xe8: {  	s15 =	simm.s32 $0x0;
	[sflag:s11] =	ssyncset.done $0x0  }
0xe9: {  	s16 =	simm.s32 $0x0;
	s17 =	simm.s32 $0x0;
	[sflag:s11] =	ssyncadd.s32 $0xFFFFB000  }
.LBB2_2:
0xea: {  	s18 =	sshll.u32 s17, $0x6  }
0xeb: {  	s20 =	sand.u32 $0x1C00, s15;
	s21 =	sshll.u32 s17, $0x3;
	s19 =	sand.u32 $0x6000, s18  }
0xec: {  	s21 =	sand.u32 $0x380, s21;
	s19 =	sor.u32 s20, s19  }
0xed: {  	s9 =	sand.u32 $0x40, s16;
	s19 =	sor.u32 s21, s19  }
0xee: {  	s20 =	sor.u32 s9, s19  }
0xef: {  	v20 =	vld [tilespmem:s20+$0x0];
	_ =	sdelay $0x3  }
0xf0: {  	s18 =	sand.u32 $0xFFFFFC00, s18  }
0xf1: {  	s18 =	sadd.s32 s18, s4  }
0xf2: {  	s18 =	sadd.s32 s18, s16;
	s21 =	sadd.s32 $0x10, s16  }
0xf3: {  	v21 =	vor.u32 s18, v18;
	s20 =	sand.u32 $0x50, s21  }
0xf4: {  	s20 =	sor.u32 s20, s19;
	[tilespmem:v20+s12+$0x0] =	vst.idx.msk $0xffff, v21  }
0xf5: {  	v20 =	vld [tilespmem:s20+$0x0];
	_ =	sdelay $0x5  }
0xf6: {  	s22 =	sadd.s32 $0x10, s18;
	s9 =	sadd.s32 $0x20, s16  }
0xf7: {  	v61 =	vor.u32 s22, v18;
	s21 =	sand.u32 $0x60, s9  }
0xf8: {  	s20 =	sor.u32 s21, s19;
	[tilespmem:v20+s12+$0x0] =	vst.idx.msk $0xffff, v61  }
0xf9: {  	v20 =	vld [tilespmem:s20+$0x0];
	_ =	sdelay $0x5  }
0xfa: {  	s22 =	sadd.s32 $0x20, s18;
	s9 =	sadd.s32 $0x30, s16  }
0xfb: {  	v62 =	vor.u32 s22, v18;
	s22 =	sand.u32 $0x70, s9  }
0xfc: {  	s19 =	sor.u32 s22, s19;
	[tilespmem:v20+s12+$0x0] =	vst.idx.msk $0xffff, v62  }
0xfd: {  	v20 =	vld [tilespmem:s19+$0x0];
	_ =	sdelay $0x2  }
0xfe: {  	p0 =	sne.s32 s16, $0x4FC0  }
.Ltmp2:
0xff: {  	_ = 	snop;
	(pc) =	sbr.rel @p0 .LBB2_2-.Ltmp2, $4  }
0x100: {  	_ = 	snop  }
0x101: {  	s18 =	sadd.s32 $0x30, s18  }
0x102: {  	v63 =	vor.u32 s18, v18  }
0x103: {  	s17 =	sadd.s32 $0x1, s17;
	s15 =	sadd.s32 $0x200, s15;
	s16 =	sadd.s32 $0x40, s16;
	[tilespmem:v20+s12+$0x0] =	vst.idx.msk $0xffff, v63  }
0x104: {  	s9 =	rddreg [dreg:$0x5]  }
0x105: {  	[spmem:s9] =	stream.strided.scatter [tilespmem:s12], [sflag:$0x2], $0x800, s10, s8, $0x38;
	[tilespmem:$0x18800] =	vst v63  }
0x106: {  	_ =	swait.ge [sflag:s13], $0x800  }
0x107: {  	[sflag:s13] =	ssyncset.done $0x0  }
0x108: {  	[sflag:s13] =	ssyncadd.s32 $0xFFFFF800  }
0x109: {  	[bflag:$0x0] =	sbarrier.arrive $0xFFFF  }
0x10a: {  	s15 =	simm.s32 $0x6800;
	s19 =	rddreg [dreg:$0x6]  }
0x10b: {  	[tilespmem:s15], [sflag:$0x2] =	stream.strided.gather [spmem:s19], $0x800, s10, s8, $0x38;
	[tilespmem:$0x18800] =	vst v63  }
0x10c: {  	_ =	swait.ge [sflag:s13], $0x800  }
0x10d: {  	[sflag:s13] =	ssyncset.done $0x0  }
0x10e: {  	s16 =	simm.s32 $0x7000;
	s20 =	rddreg [dreg:$0x7];
	[sflag:s13] =	ssyncadd.s32 $0xFFFFF800  }
0x10f: {  	[tilespmem:s16], [sflag:$0x2] =	stream.strided.gather [spmem:s20], $0x800, s10, s8, $0x38;
	[tilespmem:$0x18800] =	vst v63  }
0x110: {  	_ =	swait.ge [sflag:s13], $0x800  }
0x111: {  	[sflag:s13] =	ssyncset.done $0x0  }
0x112: {  	[sflag:s13] =	ssyncadd.s32 $0xFFFFF800  }
0x113: {  	v20 =	vld [tilespmem:s16+$0x0]  }
0x114: {  	v21 =	vld [tilespmem:s15+$0x0];
	_ =	sdelay $0x4  }
0x115: {  	vm0 =	vgt.s32 v21, v20  }
0x116: {  	v20 =	vsel vm0, v21, v20  }
0x117: {  	vm0 =	vlt.s32 v20, $0x0;
	v21 =	vshrl.u32 v20, $0x1F  }
0x118: {  	v20 =	vsel vm0, $0x0, v20;
	(xrf0) =	vadd.scan.msk.s32 $0xffff, v21  }
0x119: {  	v48 =	vshll.u32 v20, $0x5  }
0x11a: {  	v22 =	vshll.u32 v20, $0x3;
	v21 =	vand.u32 $0xFFFF0000, v48  }
0x11b: {  	v22 =	vand.u32 $0x3C00, v22;
	v21 =	vadd.s32 v0, v21  }
0x11c: {  	s15 =	simm.s32 $0x0;
	v20 =	vand.u32 $0x7F, v20;
	v21 =	vor.u32 v22, v21  }
0x11d: {  	s21 =	simm.s32 $0x7800;
	s17 =	sand.u32 $0x3C00, s15;
	s18 =	sand.u32 $0x70, s15;
	v49 =	vsel vm0, $0x0, v19;
	v20 =	vor.u32 v20, v21  }
0x11e: {  	s20 =	sor.u32 s18, s17;
	[tilespmem:s21+$0x0] =	vst v49;
	v21 =	vor.u32 v3, v20;
	v50, _, _ =	vpop (xrf0)  }
0x11f: {  	v23 =	vor.u32 v1, v20;
	[tilespmem:s20+$0x8100] =	vst v21;
	(v2sf) =	vpush v50, $0xF  }
0x120: {  	v51 =	vor.u32 v2, v20;
	[tilespmem:s20+$0x8000] =	vst v23  }
0x121: {  	v52 =	vor.u32 v4, v20;
	[tilespmem:s20+$0x8080] =	vst v51  }
0x122: {  	s22 =	sand.u32 $0x7, s15;
	v53 =	vor.u32 v5, v20;
	[tilespmem:s20+$0x8180] =	vst v52  }
0x123: {  	s16 =	sshll.u32 s22, $0x4;
	v54 =	vor.u32 v7, v20;
	[tilespmem:s20+$0x8200] =	vst v53  }
0x124: {  	s16 =	sadd.s32 $0x0, s16;
	v55 =	vor.u32 v6, v20;
	[tilespmem:s20+$0x8300] =	vst v54  }
0x125: {  	s16 =	sor.u32 $0x380, s16;
	v56 =	vor.u32 v8, v20;
	[tilespmem:s20+$0x8280] =	vst v55  }
0x126: {  	v57 =	vor.u32 v9, v20;
	[tilespmem:s16+$0x8000] =	vst v56  }
0x127: {  	v58 =	vor.u32 v10, v20;
	[tilespmem:s20+$0xC000] =	vst v57  }
0x128: {  	v59 =	vor.u32 v11, v20;
	[tilespmem:s20+$0xC080] =	vst v58  }
0x129: {  	v60 =	vor.u32 v12, v20;
	[tilespmem:s20+$0xC100] =	vst v59  }
0x12a: {  	v61 =	vor.u32 v13, v20;
	[tilespmem:s20+$0xC180] =	vst v60  }
0x12b: {  	v62 =	vor.u32 v14, v20;
	[tilespmem:s20+$0xC200] =	vst v61  }
0x12c: {  	s19 =	simm.s32 $0x7010;
	v63 =	vor.u32 v15, v20;
	[tilespmem:s20+$0xC280] =	vst v62  }
0x12d: {  	s17 =	simm.s32 $0x7810;
	s18 =	simm.s32 $0x6810;
	s21 =	simm.s32 $0x0;
	v20 =	vor.u32 v16, v20;
	[tilespmem:s20+$0xC300] =	vst v63  }
0x12e: {  	s16 =	simm.s32 $0x10;
	[tilespmem:s20+$0xC380] =	vst v20;
	s20 =	simm.s32 $0x0;
	s22 =	spop (v2sf)  }
.LBB2_4:
0x12f: {  	v20 =	vld [tilespmem:s19+$0x0];
	s15 =	sadd.s32 s15, s22;
	s20 =	sadd.s32 $0x80, s20;
	s21 =	sadd.s32 $0x1, s21  }
0x130: {  	p0 =	sne.s32 s16, $0x7F0;
	s22 =	smov.u32 s16;
	s16 =	sadd.s32 $0x10, s16;
	v21 =	vld [tilespmem:s18+$0x0]  }
0x131: {  	_ =	sdelay $0x3  }
0x132: {  	vm0 =	vgt.s32 v21, v20  }
0x133: {  	v20 =	vsel vm0, v21, v20  }
0x134: {  	vm0 =	vlt.s32 v20, $0x0;
	v21 =	vshrl.u32 v20, $0x1F  }
0x135: {  	v20 =	vsel vm0, $0x0, v20;
	v22 =	vsel vm0, $0x0, v19;
	(xrf0) =	vadd.scan.msk.s32 $0xffff, v21  }
0x136: {  	v21 =	vshll.u32 v20, $0x5;
	v23 =	vshll.u32 v20, $0x3  }
0x137: {  	v21 =	vand.u32 $0xFFFF0000, v21  }
0x138: {  	v23 =	vand.u32 $0x3C00, v23;
	v21 =	vadd.s32 v0, v21  }
0x139: {  	v20 =	vand.u32 $0x7F, v20;
	v21 =	vor.u32 v23, v21  }
0x13a: {  	s9 =	sand.u32 $0x3C00, s20;
	s22 =	sand.u32 $0x70, s22;
	v20 =	vor.u32 v20, v21  }
0x13b: {  	s9 =	sor.u32 s22, s9;
	[tilespmem:s17+$0x0] =	vst v22;
	v21 =	vor.u32 v1, v20;
	v22 =	vor.u32 v2, v20;
	v23 =	vor.u32 v3, v20;
	v24, _, _ =	vpop (xrf0)  }
0x13c: {  	v25 =	vor.u32 v5, v20;
	[tilespmem:s9+$0x8100] =	vst v23;
	v23 =	vor.u32 v4, v20;
	(v2sf) =	vpush v24, $0xF  }
0x13d: {  	v24 =	vor.u32 v7, v20;
	[tilespmem:s9+$0x8000] =	vst v21;
	v21 =	vor.u32 v6, v20  }
0x13e: {  	[tilespmem:s9+$0x8080] =	vst v22  }
0x13f: {  	s22 =	sand.u32 $0x7, s21;
	[tilespmem:s9+$0x8180] =	vst v23  }
0x140: {  	s22 =	sshll.u32 s22, $0x4;
	[tilespmem:s9+$0x8200] =	vst v25  }
0x141: {  	s22 =	sadd.s32 s22, s20;
	[tilespmem:s9+$0x8300] =	vst v24  }
0x142: {  	s22 =	sor.u32 $0x380, s22;
	[tilespmem:s9+$0x8280] =	vst v21;
	v21 =	vor.u32 v8, v20  }
0x143: {  	[tilespmem:s22+$0x8000] =	vst v21;
	v21 =	vor.u32 v9, v20  }
0x144: {  	[tilespmem:s9+$0xC000] =	vst v21;
	v21 =	vor.u32 v10, v20  }
0x145: {  	[tilespmem:s9+$0xC080] =	vst v21;
	v21 =	vor.u32 v11, v20  }
0x146: {  	[tilespmem:s9+$0xC100] =	vst v21;
	v21 =	vor.u32 v12, v20  }
.Ltmp3:
0x147: {  	[tilespmem:s9+$0xC180] =	vst v21;
	v21 =	vor.u32 v13, v20;
	(pc) =	sbr.rel @p0 .LBB2_4-.Ltmp3, $4  }
0x148: {  	[tilespmem:s9+$0xC200] =	vst v21;
	v21 =	vor.u32 v14, v20  }
0x149: {  	[tilespmem:s9+$0xC280] =	vst v21;
	v21 =	vor.u32 v15, v20  }
0x14a: {  	s17 =	sadd.s32 $0x10, s17;
	v20 =	vor.u32 v16, v20;
	[tilespmem:s9+$0xC300] =	vst v21  }
0x14b: {  	s19 =	sadd.s32 $0x10, s19;
	s18 =	sadd.s32 $0x10, s18;
	[tilespmem:s9+$0xC380] =	vst v20;
	s22 =	spop (v2sf)  }
0x14c: {  	s22 =	sadd.s32 s15, s22  }
0x14d: {  	p0 =	slt.s32 s22, $0x1  }
.Ltmp4:
0x14e: {  	s16 =	simm.s32 $0x10000;
	s9 =	rddreg [dreg:$0x0];
	(pc) =	sbr.rel @p0 .LBB2_9-.Ltmp4, $4  }
0x14f: {  	[tilespmem:s16], [sflag:$0x1] =	stream.indirect.gather [hbm4b:s9+s7], $0x1, s7, s7, $0xb8;
	[tilespmem:$0x18800] =	vst v63  }
0x150: {  	_ =	swait.ge [sflag:s11], $0x8000  }
0x151: {  	[sflag:s11] =	ssyncset.done $0x0  }
0x152: {  	s15 =	simm.s32 $0x0;
	[sflag:s11] =	ssyncadd.s32 $0xFFFF8000  }
0x153: {  	s18 =	sand.u32 $0x70, s15;
	s19 =	sand.u32 $0x780, s15;
	s17 =	simm.s32 $0x10  }
.LBB2_7:
0x154: {  	p0 =	sne.s32 s17, $0x7FF0;
	s9 =	sor.u32 s18, s19;
	v20 =	vld [tilespmem:s16+$0x0];
	s20 =	smov.u32 s16  }
0x155: {  	v21 =	vld [tilespmem:s9+$0x7800];
	_ =	sdelay $0x2  }
.Ltmp5:
0x156: {  	(pc) =	sbr.rel @p0 .LBB2_7-.Ltmp5, $4  }
0x157: {  	_ = 	snop  }
0x158: {  	v20 =	vmul.f32 v20, v21  }
0x159: {  	s16 =	sadd.s32 $0x10, s16;
	s15 =	sadd.s32 $0x2, s15  }
0x15a: {  	s18 =	sand.u32 $0x70, s17;
	s17 =	sadd.s32 $0x10, s17;
	s19 =	sand.u32 $0x780, s15;
	[tilespmem:s20+$0x0] =	vst v20  }
.Ltmp6:
0x15b: {  	_ = 	snop;
	(pc) =	sbr.rel .LBB2_8-.Ltmp6, $1  }
0x15c: {  	_ =	sdelay $0x3  }
.LBB2_10:
0x15d: {  	_ =	sfence.sel $0x180000  }
0x15e: {  	[bflag:$0x0] =	sbarrier.arrive $0xFFFF  }
0x15f: {  	_ =	strace $0x90000047  }
0x160: {  	s0 =	stileid.u32;
	[bflag:$0x2] =	sbarrier.arrive $0xFFFF  }
0x161: {  	p0 =	sne.s32 s0, $0x0;
	s0 =	rddreg [dreg:$0x4]  }
0x162: {  	s0 =	sadd.s32 @!p0 $0x100000, s0  }
0x163: {  	[sflag:s0] =	ssyncadd.tile.s32 @!p0 $0x1;
	_ =	shalt  }
.Lfunc_end2:
_tile_overlayer_lowered:
.L_overlay_start_2:
0x164: {  	(tag) =	ssettag $0x2  }
0x165: {  	s0 =	rddreg [dreg:$0x0];
	s2 =	stileid.u32  }
0x166: {  	s1 =	rddreg [dreg:$0x1];
	p0 =	sne.s32 s2, $0x0  }
0x167: {  	s3 =	rddreg [dreg:$0x2];
	[bflag:$0x3] =	sbarrier.arrive $0xFFFF;
	s2 =	simm.s32 @!p0 $0x1C02  }
0x168: {  	[timem:s3], [sflag:s2] =	dma.local @!p0 [hbm:s0], s1  }
0x169: {  	s0 =	simm.s32 @!p0 $0x2  }
0x16a: {  	_ =	swait.ge @!p0 [sflag:s0], s1  }
0x16b: {  	s1 =	ssub.s32 @!p0 $0x0, s1;
	[sflag:s0] =	ssyncset.done @!p0 $0x0  }
0x16c: {  	[sflag:s0] =	ssyncadd.s32 @!p0 s1  }
0x16d: {  	[bflag:$0x3] =	sbarrier.arrive $0xFFFF  }
0x16e: {  	_ =	shalt  }

</sc_bundles>
